<compile_context>
chip_gen: v7x
topology: tpu7x:2x2x1
jax: 0.10.2.dev20260603
libtpu: 0.0.44.dev20260713+nightly
codegen_flags: <defaults>
</compile_context>

<pallas_src>
import functools

import jax
import jax.numpy as jnp
from jax import lax
from jax.experimental import pallas as pl
from jax.experimental.pallas import tpu as pltpu
from jax.experimental.pallas import tpu_sc as plsc

_N = 10000
_E = 320000
_H = 128
_NG = 128
_LAT = 64

_CH = 125
_NCH = _E // _CH

_info = plsc.get_sparse_core_info()
_NC = _info.num_cores
_NS = _info.num_subcores
_NW = _NC * _NS
_CPW = _NCH // _NW
_RPT = 624
_RPT_LAST = _N - 15 * _RPT

_sc_mesh = plsc.VectorSubcoreMesh(core_axis_name="c", subcore_axis_name="s")


@functools.partial(
    pl.kernel,
    mesh=_sc_mesh,
    out_type=jax.ShapeDtypeStruct((_NC, _N, _H), jnp.float32),
    scratch_types=[
        pltpu.VMEM((_CPW, _CH), jnp.int32),
        pltpu.VMEM((_CPW, _CH), jnp.int32),
        pltpu.VMEM((_CH, _H), jnp.float32),
        pltpu.VMEM_SHARED((_N, _H), jnp.float32),
        pltpu.SemaphoreType.DMA,
    ],
)
def _sc_segment_sum(h_hbm, src_hbm, dst_hbm, zeros_hbm, out_hbm,
                    src_v, dst_v, rows_v, acc, sem):
    c = lax.axis_index("c")
    s = lax.axis_index("s")
    wid = c * _NS + s

    @pl.when(s < _NS - 1)
    def _():
        pltpu.sync_copy(zeros_hbm.at[pl.ds(0, _RPT)],
                        acc.at[pl.ds(s * _RPT, _RPT)])

    @pl.when(s == _NS - 1)
    def _():
        pltpu.sync_copy(zeros_hbm, acc.at[pl.ds(15 * _RPT, _RPT_LAST)])
    pltpu.sync_copy(src_hbm.at[pl.ds(wid * _CPW, _CPW)], src_v)
    pltpu.sync_copy(dst_hbm.at[pl.ds(wid * _CPW, _CPW)], dst_v)
    plsc.subcore_barrier()

    def body(j, carry):
        pltpu.async_copy(h_hbm.at[src_v.at[j]], rows_v, sem).wait()
        pltpu.sync_copy(rows_v, acc.at[dst_v.at[j]], add=True)
        return carry

    lax.fori_loop(0, _CPW, body, 0)

    plsc.subcore_barrier()

    @pl.when(s < _NS - 1)
    def _():
        pltpu.sync_copy(acc.at[pl.ds(s * _RPT, _RPT)],
                        out_hbm.at[c, pl.ds(s * _RPT, _RPT)])

    @pl.when(s == _NS - 1)
    def _():
        pltpu.sync_copy(acc.at[pl.ds(15 * _RPT, _RPT_LAST)],
                        out_hbm.at[c, pl.ds(15 * _RPT, _RPT_LAST)])


def _lrelu(x):
    return jnp.where(x >= 0, x, 0.2 * x)


def _tc_layer_body(h_ref, a0_ref, a1_ref, w1_ref, b1_ref, g_ref, be_ref,
                   w2_ref, b2_ref, o_ref):
    m = h_ref[...] + a0_ref[...] + a1_ref[...]
    t = jnp.dot(m, w1_ref[...], preferred_element_type=jnp.float32) + b1_ref[...]
    t = _lrelu(t)
    mu = jnp.mean(t, axis=0, keepdims=True)
    var = jnp.mean((t - mu) * (t - mu), axis=0, keepdims=True)
    t = (t - mu) / jnp.sqrt(var + 1e-5) * g_ref[...] + be_ref[...]
    u = jnp.dot(t, w2_ref[...], preferred_element_type=jnp.float32) + b2_ref[...]
    u = _lrelu(_lrelu(u))
    o_ref[...] = u + h_ref[...]


_tc_layer = pl.pallas_call(
    _tc_layer_body,
    out_shape=jax.ShapeDtypeStruct((_N, _H), jnp.float32),
)


def _tc_final_body(h_ref, b_ref, g_ref, be_ref, w_ref, bb_ref, o_ref):
    gid = lax.broadcasted_iota(jnp.int32, (_NG, _N), 0)
    onehot = (b_ref[...] == gid).astype(jnp.float32)
    pooled = jnp.dot(onehot, h_ref[...], preferred_element_type=jnp.float32)
    mu = jnp.mean(pooled, axis=0, keepdims=True)
    var = jnp.mean((pooled - mu) * (pooled - mu), axis=0, keepdims=True)
    p = (pooled - mu) / jnp.sqrt(var + 1e-5) * g_ref[...] + be_ref[...]
    o_ref[...] = jnp.dot(p, w_ref[...], preferred_element_type=jnp.float32) + bb_ref[...]


_tc_final = pl.pallas_call(
    _tc_final_body,
    out_shape=jax.ShapeDtypeStruct((_NG, _LAT), jnp.float32),
)


def kernel(x, edge_index, batch, params):
    src = edge_index[0].reshape(_NCH, _CH)
    dst = edge_index[1].reshape(_NCH, _CH)
    zeros = jnp.zeros((_RPT_LAST, _H), jnp.float32)

    h = x
    for lp in params["layers"]:
        agg = _sc_segment_sum(h, src, dst, zeros)
        h = _tc_layer(h, agg[0], agg[1],
                      lp["W1"], lp["b1"].reshape(1, _H),
                      lp["g"].reshape(1, _H), lp["be"].reshape(1, _H),
                      lp["W2"], lp["b2"].reshape(1, _H))
    out = _tc_final(h, batch.reshape(1, _N),
                    params["bn_g"].reshape(1, _H), params["bn_b"].reshape(1, _H),
                    params["fcW"], params["fcb"].reshape(1, _LAT))
    return out

# --- scband reference (transcript-rebuilt; emitter-appended) ---
"""Pipeline reference for scband-ginskip-connections-86423331930332 (READ-ONLY COPY).

The authoritative reference and input builder live on the scoring server;
editing this copy changes nothing except your own understanding.
"""

import jax, jax.numpy as jnp
import numpy as np

N = 10000
E = 320000
D_IN = 128
H = 128
LATENT = 64
N_LAYERS = 3
N_GRAPHS = 128


def _lrelu(x):
    return jnp.where(x >= 0, x, 0.2 * x)


def _bn(x, g, b):
    m = jnp.mean(x, axis=0)
    v = jnp.var(x, axis=0)
    return (x - m) / jnp.sqrt(v + 1e-5) * g + b


def setup_inputs(seed: int = 0):
    key = jax.random.key(seed)
    ks = jax.random.split(key, 64)
    x = jax.random.normal(ks[0], (N, D_IN), dtype=jnp.float32)
    edge_index = jax.random.randint(ks[1], (2, E), 0, N, dtype=jnp.int32)
    batch = jnp.sort(jax.random.randint(ks[2], (N,), 0, N_GRAPHS, dtype=jnp.int32))
    layers = []
    ki = 3
    for l in range(N_LAYERS):
        in_d = D_IN if l == 0 else H
        s1 = 1.0 / np.sqrt(in_d)
        s2 = 1.0 / np.sqrt(H)
        layers.append({
            "W1": jax.random.uniform(ks[ki + 0], (in_d, H), jnp.float32, -s1, s1),
            "b1": jax.random.uniform(ks[ki + 1], (H,), jnp.float32, -s1, s1),
            "g": jnp.ones((H,), jnp.float32),
            "be": jnp.zeros((H,), jnp.float32),
            "W2": jax.random.uniform(ks[ki + 2], (H, H), jnp.float32, -s2, s2),
            "b2": jax.random.uniform(ks[ki + 3], (H,), jnp.float32, -s2, s2),
        })
        ki += 4
    sf = 1.0 / np.sqrt(H)
    params = {
        "layers": layers,
        "bn_g": jnp.ones((H,), jnp.float32),
        "bn_b": jnp.zeros((H,), jnp.float32),
        "fcW": jax.random.uniform(ks[ki], (H, LATENT), jnp.float32, -sf, sf),
        "fcb": jax.random.uniform(ks[ki + 1], (LATENT,), jnp.float32, -sf, sf),
    }
    return {"x": x, "edge_index": edge_index, "batch": batch, "params": params}


def reference(x, edge_index, batch, params):
    src = edge_index[0]
    dst = edge_index[1]
    h = x
    for lp in params["layers"]:
        # GINConv with eps=0: MLP(x + sum_{j in N(i)} x_j)
        agg = jax.ops.segment_sum(h[src], dst, num_segments=N)
        m = h + agg
        m = _lrelu(m @ lp["W1"] + lp["b1"])
        m = _bn(m, lp["g"], lp["be"])
        m = _lrelu(m @ lp["W2"] + lp["b2"])
        # outer leaky_relu, then residual skip; dropout is identity in eval
        m = _lrelu(m)
        h = m + h
    pooled = jax.ops.segment_sum(h, batch, num_segments=N_GRAPHS)
    out = _bn(pooled, params["bn_g"], params["bn_b"])
    out = out @ params["fcW"] + params["fcb"]
    return out

if __name__ == "__main__":
    import jax
    _d = setup_inputs()
    print(jax.jit(kernel)(*tuple(_d.values())))

</pallas_src>

<mosaic_0001>
#map = affine_map<(d0, d1) -> (0, 0)>
#map1 = affine_map<(d0, d1) -> (0, 0, 0)>
module attributes {stable_mosaic.version = 14 : i64} {
  func.func @_sc_segment_sum(%arg0: i32, %arg1: i32, %arg2: memref<10000x128xf32, #tpu.memory_space<hbm>>, %arg3: memref<2560x125xi32, #tpu.memory_space<hbm>>, %arg4: memref<2560x125xi32, #tpu.memory_space<hbm>>, %arg5: memref<640x128xf32, #tpu.memory_space<hbm>>, %arg6: memref<2x10000x128xf32, #tpu.memory_space<hbm>>, %arg7: memref<80x125xi32, #tpu.memory_space<vmem>>, %arg8: memref<80x125xi32, #tpu.memory_space<vmem>>, %arg9: memref<125x128xf32, #tpu.memory_space<vmem>>, %arg10: memref<10000x128xf32, #tpu.memory_space<vmem_shared>>, %arg11: memref<!tpu.dma_semaphore, #tpu.memory_space<semaphore_mem>>) attributes {dimension_semantics = [#tpu.dimension_semantics<core_parallel>, #tpu.dimension_semantics<subcore_parallel>], iteration_bounds = array<i64: 2, 16>, scalar_prefetch = 0 : i64, scratch_operands = 5 : i64, tpu.core_type = #tpu.core_type<sc_vector_subcore>, window_params = [{transform_indices = #map}, {transform_indices = #map}, {transform_indices = #map}, {transform_indices = #map}, {transform_indices = #map1}]} {
    %mul3A = arith.constant 16 : i32
    %mul3A_0 = arith.muli %arg0, %mul3A : i32
    %add3A = arith.addi %mul3A_0, %arg1 : i32
    %lt3A = arith.constant 15 : i32
    %lt3A_1 = arith.cmpi slt, %arg1, %lt3A : i32
    %convert_element_type3A = arith.extui %lt3A_1 : i1 to i32
    %cond3A = arith.constant 0 : i32
    %cond3A_2 = arith.cmpi ne, %convert_element_type3A, %cond3A : i32
    scf.if %cond3A_2 {
      %mul3A_27 = arith.constant 624 : i32
      %mul3A_28 = arith.muli %arg1, %mul3A_27 : i32
      "tpu.region"() ({
        %run_scoped3A = tpu.sem_alloc : memref<!tpu.dma_semaphore, #tpu.memory_space<semaphore_mem>>
        %dma_start3A = arith.constant 0 : i32
        %dma_start3A_29 = tpu.memref_slice %arg10[%mul3A_28, %dma_start3A] : memref<10000x128xf32, #tpu.memory_space<vmem_shared>> -> memref<624x128xf32, #tpu.memory_space<vmem_shared>>
        %dma_start3A_30 = arith.constant 0 : i32
        %dma_start3A_31 = arith.constant 0 : i32
        %dma_start3A_32 = tpu.memref_slice %arg5[%dma_start3A_30, %dma_start3A_31] : memref<640x128xf32, #tpu.memory_space<hbm>> -> memref<624x128xf32, #tpu.memory_space<hbm>>
        tpu.enqueue_dma source(%dma_start3A_32 : memref<624x128xf32, #tpu.memory_space<hbm>>) target(%dma_start3A_29 : memref<624x128xf32, #tpu.memory_space<vmem_shared>>) target_semaphore(%run_scoped3A : memref<!tpu.dma_semaphore, #tpu.memory_space<semaphore_mem>>)
        %dma_wait3A = arith.constant 0 : i32
        %dma_wait3A_33 = tpu.memref_slice %arg10[%mul3A_28, %dma_wait3A] : memref<10000x128xf32, #tpu.memory_space<vmem_shared>> -> memref<624x128xf32, #tpu.memory_space<vmem_shared>>
        %dma_wait3A_34 = arith.constant 0 : i32
        %dma_wait3A_35 = arith.constant 0 : i32
        %dma_wait3A_36 = tpu.memref_slice %arg5[%dma_wait3A_34, %dma_wait3A_35] : memref<640x128xf32, #tpu.memory_space<hbm>> -> memref<624x128xf32, #tpu.memory_space<hbm>>
        tpu.wait_dma2 semaphore(%run_scoped3A : memref<!tpu.dma_semaphore, #tpu.memory_space<semaphore_mem>>) src(%dma_wait3A_36 : memref<624x128xf32, #tpu.memory_space<hbm>>) dst(%dma_wait3A_33 : memref<624x128xf32, #tpu.memory_space<vmem_shared>>)
        tpu.yield
      }) : () -> ()
    } else {
    }
    %eq3A = arith.constant 15 : i32
    %eq3A_3 = arith.cmpi eq, %arg1, %eq3A : i32
    %convert_element_type3A_4 = arith.extui %eq3A_3 : i1 to i32
    %cond3A_5 = arith.constant 0 : i32
    %cond3A_6 = arith.cmpi ne, %convert_element_type3A_4, %cond3A_5 : i32
    scf.if %cond3A_6 {
      "tpu.region"() ({
        %run_scoped3A = tpu.sem_alloc : memref<!tpu.dma_semaphore, #tpu.memory_space<semaphore_mem>>
        %dma_start3A = arith.constant 9360 : i32
        %dma_start3A_27 = arith.constant 0 : i32
        %dma_start3A_28 = tpu.memref_slice %arg10[%dma_start3A, %dma_start3A_27] : memref<10000x128xf32, #tpu.memory_space<vmem_shared>> -> memref<640x128xf32, #tpu.memory_space<vmem_shared>>
        tpu.enqueue_dma source(%arg5 : memref<640x128xf32, #tpu.memory_space<hbm>>) target(%dma_start3A_28 : memref<640x128xf32, #tpu.memory_space<vmem_shared>>) target_semaphore(%run_scoped3A : memref<!tpu.dma_semaphore, #tpu.memory_space<semaphore_mem>>)
        %dma_wait3A = arith.constant 9360 : i32
        %dma_wait3A_29 = arith.constant 0 : i32
        %dma_wait3A_30 = tpu.memref_slice %arg10[%dma_wait3A, %dma_wait3A_29] : memref<10000x128xf32, #tpu.memory_space<vmem_shared>> -> memref<640x128xf32, #tpu.memory_space<vmem_shared>>
        tpu.wait_dma2 semaphore(%run_scoped3A : memref<!tpu.dma_semaphore, #tpu.memory_space<semaphore_mem>>) src(%arg5 : memref<640x128xf32, #tpu.memory_space<hbm>>) dst(%dma_wait3A_30 : memref<640x128xf32, #tpu.memory_space<vmem_shared>>)
        tpu.yield
      }) : () -> ()
    } else {
    }
    %mul3A_7 = arith.constant 80 : i32
    %mul3A_8 = arith.muli %add3A, %mul3A_7 : i32
    "tpu.region"() ({
      %run_scoped3A = tpu.sem_alloc : memref<!tpu.dma_semaphore, #tpu.memory_space<semaphore_mem>>
      %dma_start3A = arith.constant 0 : i32
      %dma_start3A_27 = tpu.memref_slice %arg3[%mul3A_8, %dma_start3A] : memref<2560x125xi32, #tpu.memory_space<hbm>> -> memref<80x125xi32, #tpu.memory_space<hbm>>
      %dma_start3A_28 = arith.constant 0 : i32
      %dma_start3A_29 = tpu.memref_slice %arg3[%mul3A_8, %dma_start3A_28] : memref<2560x125xi32, #tpu.memory_space<hbm>> -> memref<80x125xi32, #tpu.memory_space<hbm>>
      tpu.enqueue_dma source(%dma_start3A_29 : memref<80x125xi32, #tpu.memory_space<hbm>>) target(%arg7 : memref<80x125xi32, #tpu.memory_space<vmem>>) target_semaphore(%run_scoped3A : memref<!tpu.dma_semaphore, #tpu.memory_space<semaphore_mem>>)
      %dma_wait3A = arith.constant 0 : i32
      %dma_wait3A_30 = tpu.memref_slice %arg3[%mul3A_8, %dma_wait3A] : memref<2560x125xi32, #tpu.memory_space<hbm>> -> memref<80x125xi32, #tpu.memory_space<hbm>>
      %dma_wait3A_31 = arith.constant 0 : i32
      %dma_wait3A_32 = tpu.memref_slice %arg3[%mul3A_8, %dma_wait3A_31] : memref<2560x125xi32, #tpu.memory_space<hbm>> -> memref<80x125xi32, #tpu.memory_space<hbm>>
      tpu.wait_dma2 semaphore(%run_scoped3A : memref<!tpu.dma_semaphore, #tpu.memory_space<semaphore_mem>>) src(%dma_wait3A_32 : memref<80x125xi32, #tpu.memory_space<hbm>>) dst(%arg7 : memref<80x125xi32, #tpu.memory_space<vmem>>)
      tpu.yield
    }) : () -> ()
    %mul3A_9 = arith.constant 80 : i32
    %mul3A_10 = arith.muli %add3A, %mul3A_9 : i32
    "tpu.region"() ({
      %run_scoped3A = tpu.sem_alloc : memref<!tpu.dma_semaphore, #tpu.memory_space<semaphore_mem>>
      %dma_start3A = arith.constant 0 : i32
      %dma_start3A_27 = tpu.memref_slice %arg4[%mul3A_10, %dma_start3A] : memref<2560x125xi32, #tpu.memory_space<hbm>> -> memref<80x125xi32, #tpu.memory_space<hbm>>
      %dma_start3A_28 = arith.constant 0 : i32
      %dma_start3A_29 = tpu.memref_slice %arg4[%mul3A_10, %dma_start3A_28] : memref<2560x125xi32, #tpu.memory_space<hbm>> -> memref<80x125xi32, #tpu.memory_space<hbm>>
      tpu.enqueue_dma source(%dma_start3A_29 : memref<80x125xi32, #tpu.memory_space<hbm>>) target(%arg8 : memref<80x125xi32, #tpu.memory_space<vmem>>) target_semaphore(%run_scoped3A : memref<!tpu.dma_semaphore, #tpu.memory_space<semaphore_mem>>)
      %dma_wait3A = arith.constant 0 : i32
      %dma_wait3A_30 = tpu.memref_slice %arg4[%mul3A_10, %dma_wait3A] : memref<2560x125xi32, #tpu.memory_space<hbm>> -> memref<80x125xi32, #tpu.memory_space<hbm>>
      %dma_wait3A_31 = arith.constant 0 : i32
      %dma_wait3A_32 = tpu.memref_slice %arg4[%mul3A_10, %dma_wait3A_31] : memref<2560x125xi32, #tpu.memory_space<hbm>> -> memref<80x125xi32, #tpu.memory_space<hbm>>
      tpu.wait_dma2 semaphore(%run_scoped3A : memref<!tpu.dma_semaphore, #tpu.memory_space<semaphore_mem>>) src(%dma_wait3A_32 : memref<80x125xi32, #tpu.memory_space<hbm>>) dst(%arg8 : memref<80x125xi32, #tpu.memory_space<vmem>>)
      tpu.yield
    }) : () -> ()
    %barrier3A = arith.constant 0 : index
    tpu.barrier barrier_id(%barrier3A)
    %scan3A = arith.constant 0 : i32
    %scan3A_11 = arith.constant 0 : i32
    %scan3A_12 = arith.constant 80 : i32
    %scan3A_13 = arith.addi %scan3A_11, %scan3A_12 : i32
    %scan3A_14 = arith.constant 1 : i32
    scf.for %scan3A_27 = %scan3A_11 to %scan3A_13 step %scan3A_14  : i32 {
      %dma_start3A = arith.constant 0 : i32
      %dma_start3A_28 = tpu.memref_slice %arg7[%scan3A_27, %dma_start3A] : memref<80x125xi32, #tpu.memory_space<vmem>> -> memref<1x125xi32, #tpu.memory_space<vmem>>
      %dma_start3A_29 = tpu.memref_squeeze %dma_start3A_28 : memref<1x125xi32, #tpu.memory_space<vmem>> -> memref<125xi32, #tpu.memory_space<vmem>>
      %dma_start3A_30 = arith.constant 0 : i32
      %dma_start3A_31 = arith.constant 0 : i32
      %dma_start3A_32 = tpu.memref_slice %arg2[%dma_start3A_30, %dma_start3A_31] : memref<10000x128xf32, #tpu.memory_space<hbm>> -> memref<10000x128xf32, #tpu.memory_space<hbm>>
      tpu.enqueue_indirect_dma source(%dma_start3A_32 : memref<10000x128xf32, #tpu.memory_space<hbm>>) target(%arg9 : memref<125x128xf32, #tpu.memory_space<vmem>>) offsets(%dma_start3A_29 : memref<125xi32, #tpu.memory_space<vmem>>) semaphore(%arg11 : memref<!tpu.dma_semaphore, #tpu.memory_space<semaphore_mem>>)
      %dma_wait3A = arith.constant 0 : i32
      %dma_wait3A_33 = tpu.memref_slice %arg7[%scan3A_27, %dma_wait3A] : memref<80x125xi32, #tpu.memory_space<vmem>> -> memref<1x125xi32, #tpu.memory_space<vmem>>
      %dma_wait3A_34 = tpu.memref_squeeze %dma_wait3A_33 : memref<1x125xi32, #tpu.memory_space<vmem>> -> memref<125xi32, #tpu.memory_space<vmem>>
      %dma_wait3A_35 = arith.constant 0 : i32
      %dma_wait3A_36 = arith.constant 0 : i32
      %dma_wait3A_37 = tpu.memref_slice %arg2[%dma_wait3A_35, %dma_wait3A_36] : memref<10000x128xf32, #tpu.memory_space<hbm>> -> memref<10000x128xf32, #tpu.memory_space<hbm>>
      tpu.wait_indirect_dma semaphore(%arg11 : memref<!tpu.dma_semaphore, #tpu.memory_space<semaphore_mem>>) src(%dma_wait3A_37 : memref<10000x128xf32, #tpu.memory_space<hbm>>) dst(%arg9 : memref<125x128xf32, #tpu.memory_space<vmem>>)
      "tpu.region"() ({
        %run_scoped3A = tpu.sem_alloc : memref<!tpu.dma_semaphore, #tpu.memory_space<semaphore_mem>>
        %dma_start3A_38 = arith.constant 0 : i32
        %dma_start3A_39 = tpu.memref_slice %arg8[%scan3A_27, %dma_start3A_38] : memref<80x125xi32, #tpu.memory_space<vmem>> -> memref<1x125xi32, #tpu.memory_space<vmem>>
        %dma_start3A_40 = tpu.memref_squeeze %dma_start3A_39 : memref<1x125xi32, #tpu.memory_space<vmem>> -> memref<125xi32, #tpu.memory_space<vmem>>
        %dma_start3A_41 = arith.constant 0 : i32
        %dma_start3A_42 = arith.constant 0 : i32
        %dma_start3A_43 = tpu.memref_slice %arg10[%dma_start3A_41, %dma_start3A_42] : memref<10000x128xf32, #tpu.memory_space<vmem_shared>> -> memref<10000x128xf32, #tpu.memory_space<vmem_shared>>
        tpu.enqueue_indirect_dma source(%arg9 : memref<125x128xf32, #tpu.memory_space<vmem>>) target(%dma_start3A_43 : memref<10000x128xf32, #tpu.memory_space<vmem_shared>>) offsets(%dma_start3A_40 : memref<125xi32, #tpu.memory_space<vmem>>) semaphore(%run_scoped3A : memref<!tpu.dma_semaphore, #tpu.memory_space<semaphore_mem>>) {add = true}
        %dma_wait3A_44 = arith.constant 0 : i32
        %dma_wait3A_45 = tpu.memref_slice %arg8[%scan3A_27, %dma_wait3A_44] : memref<80x125xi32, #tpu.memory_space<vmem>> -> memref<1x125xi32, #tpu.memory_space<vmem>>
        %dma_wait3A_46 = tpu.memref_squeeze %dma_wait3A_45 : memref<1x125xi32, #tpu.memory_space<vmem>> -> memref<125xi32, #tpu.memory_space<vmem>>
        %dma_wait3A_47 = arith.constant 0 : i32
        %dma_wait3A_48 = arith.constant 0 : i32
        %dma_wait3A_49 = tpu.memref_slice %arg10[%dma_wait3A_47, %dma_wait3A_48] : memref<10000x128xf32, #tpu.memory_space<vmem_shared>> -> memref<10000x128xf32, #tpu.memory_space<vmem_shared>>
        tpu.wait_indirect_dma semaphore(%run_scoped3A : memref<!tpu.dma_semaphore, #tpu.memory_space<semaphore_mem>>) src(%arg9 : memref<125x128xf32, #tpu.memory_space<vmem>>) dst(%dma_wait3A_49 : memref<10000x128xf32, #tpu.memory_space<vmem_shared>>)
        tpu.yield
      }) : () -> ()
    }
    %scan3A_15 = arith.constant 80 : i32
    %barrier3A_16 = arith.constant 0 : index
    tpu.barrier barrier_id(%barrier3A_16)
    %lt3A_17 = arith.constant 15 : i32
    %lt3A_18 = arith.cmpi slt, %arg1, %lt3A_17 : i32
    %convert_element_type3A_19 = arith.extui %lt3A_18 : i1 to i32
    %cond3A_20 = arith.constant 0 : i32
    %cond3A_21 = arith.cmpi ne, %convert_element_type3A_19, %cond3A_20 : i32
    scf.if %cond3A_21 {
      %mul3A_27 = arith.constant 624 : i32
      %mul3A_28 = arith.muli %arg1, %mul3A_27 : i32
      %mul3A_29 = arith.constant 624 : i32
      %mul3A_30 = arith.muli %arg1, %mul3A_29 : i32
      "tpu.region"() ({
        %run_scoped3A = tpu.sem_alloc : memref<!tpu.dma_semaphore, #tpu.memory_space<semaphore_mem>>
        %dma_start3A = arith.constant 0 : i32
        %dma_start3A_31 = tpu.memref_slice %arg6[%arg0, %mul3A_30, %dma_start3A] : memref<2x10000x128xf32, #tpu.memory_space<hbm>> -> memref<1x624x128xf32, #tpu.memory_space<hbm>>
        %dma_start3A_32 = tpu.memref_squeeze %dma_start3A_31 : memref<1x624x128xf32, #tpu.memory_space<hbm>> -> memref<624x128xf32, #tpu.memory_space<hbm>>
        %dma_start3A_33 = arith.constant 0 : i32
        %dma_start3A_34 = tpu.memref_slice %arg10[%mul3A_28, %dma_start3A_33] : memref<10000x128xf32, #tpu.memory_space<vmem_shared>> -> memref<624x128xf32, #tpu.memory_space<vmem_shared>>
        tpu.enqueue_dma source(%dma_start3A_34 : memref<624x128xf32, #tpu.memory_space<vmem_shared>>) target(%dma_start3A_32 : memref<624x128xf32, #tpu.memory_space<hbm>>) target_semaphore(%run_scoped3A : memref<!tpu.dma_semaphore, #tpu.memory_space<semaphore_mem>>)
        %dma_wait3A = arith.constant 0 : i32
        %dma_wait3A_35 = tpu.memref_slice %arg6[%arg0, %mul3A_30, %dma_wait3A] : memref<2x10000x128xf32, #tpu.memory_space<hbm>> -> memref<1x624x128xf32, #tpu.memory_space<hbm>>
        %dma_wait3A_36 = tpu.memref_squeeze %dma_wait3A_35 : memref<1x624x128xf32, #tpu.memory_space<hbm>> -> memref<624x128xf32, #tpu.memory_space<hbm>>
        %dma_wait3A_37 = arith.constant 0 : i32
        %dma_wait3A_38 = tpu.memref_slice %arg10[%mul3A_28, %dma_wait3A_37] : memref<10000x128xf32, #tpu.memory_space<vmem_shared>> -> memref<624x128xf32, #tpu.memory_space<vmem_shared>>
        tpu.wait_dma2 semaphore(%run_scoped3A : memref<!tpu.dma_semaphore, #tpu.memory_space<semaphore_mem>>) src(%dma_wait3A_38 : memref<624x128xf32, #tpu.memory_space<vmem_shared>>) dst(%dma_wait3A_36 : memref<624x128xf32, #tpu.memory_space<hbm>>)
        tpu.yield
      }) : () -> ()
    } else {
    }
    %eq3A_22 = arith.constant 15 : i32
    %eq3A_23 = arith.cmpi eq, %arg1, %eq3A_22 : i32
    %convert_element_type3A_24 = arith.extui %eq3A_23 : i1 to i32
    %cond3A_25 = arith.constant 0 : i32
    %cond3A_26 = arith.cmpi ne, %convert_element_type3A_24, %cond3A_25 : i32
    scf.if %cond3A_26 {
      "tpu.region"() ({
        %run_scoped3A = tpu.sem_alloc : memref<!tpu.dma_semaphore, #tpu.memory_space<semaphore_mem>>
        %dma_start3A = arith.constant 9360 : i32
        %dma_start3A_27 = arith.constant 0 : i32
        %dma_start3A_28 = tpu.memref_slice %arg6[%arg0, %dma_start3A, %dma_start3A_27] : memref<2x10000x128xf32, #tpu.memory_space<hbm>> -> memref<1x640x128xf32, #tpu.memory_space<hbm>>
        %dma_start3A_29 = tpu.memref_squeeze %dma_start3A_28 : memref<1x640x128xf32, #tpu.memory_space<hbm>> -> memref<640x128xf32, #tpu.memory_space<hbm>>
        %dma_start3A_30 = arith.constant 9360 : i32
        %dma_start3A_31 = arith.constant 0 : i32
        %dma_start3A_32 = tpu.memref_slice %arg10[%dma_start3A_30, %dma_start3A_31] : memref<10000x128xf32, #tpu.memory_space<vmem_shared>> -> memref<640x128xf32, #tpu.memory_space<vmem_shared>>
        tpu.enqueue_dma source(%dma_start3A_32 : memref<640x128xf32, #tpu.memory_space<vmem_shared>>) target(%dma_start3A_29 : memref<640x128xf32, #tpu.memory_space<hbm>>) target_semaphore(%run_scoped3A : memref<!tpu.dma_semaphore, #tpu.memory_space<semaphore_mem>>)
        %dma_wait3A = arith.constant 9360 : i32
        %dma_wait3A_33 = arith.constant 0 : i32
        %dma_wait3A_34 = tpu.memref_slice %arg6[%arg0, %dma_wait3A, %dma_wait3A_33] : memref<2x10000x128xf32, #tpu.memory_space<hbm>> -> memref<1x640x128xf32, #tpu.memory_space<hbm>>
        %dma_wait3A_35 = tpu.memref_squeeze %dma_wait3A_34 : memref<1x640x128xf32, #tpu.memory_space<hbm>> -> memref<640x128xf32, #tpu.memory_space<hbm>>
        %dma_wait3A_36 = arith.constant 9360 : i32
        %dma_wait3A_37 = arith.constant 0 : i32
        %dma_wait3A_38 = tpu.memref_slice %arg10[%dma_wait3A_36, %dma_wait3A_37] : memref<10000x128xf32, #tpu.memory_space<vmem_shared>> -> memref<640x128xf32, #tpu.memory_space<vmem_shared>>
        tpu.wait_dma2 semaphore(%run_scoped3A : memref<!tpu.dma_semaphore, #tpu.memory_space<semaphore_mem>>) src(%dma_wait3A_38 : memref<640x128xf32, #tpu.memory_space<vmem_shared>>) dst(%dma_wait3A_35 : memref<640x128xf32, #tpu.memory_space<hbm>>)
        tpu.yield
      }) : () -> ()
    } else {
    }
    return
  }
}

#map = affine_map<(d0, d1) -> (0, 0)>
#map1 = affine_map<(d0, d1) -> (0, 0, 0)>
module attributes {stable_mosaic.version = 14 : i64} {
  func.func @_sc_segment_sum(%arg0: i32, %arg1: i32, %arg2: memref<10000x128xf32, #tpu.memory_space<hbm>>, %arg3: memref<2560x125xi32, #tpu.memory_space<hbm>>, %arg4: memref<2560x125xi32, #tpu.memory_space<hbm>>, %arg5: memref<640x128xf32, #tpu.memory_space<hbm>>, %arg6: memref<2x10000x128xf32, #tpu.memory_space<hbm>>, %arg7: memref<80x125xi32, #tpu.memory_space<vmem>>, %arg8: memref<80x125xi32, #tpu.memory_space<vmem>>, %arg9: memref<125x128xf32, #tpu.memory_space<vmem>>, %arg10: memref<10000x128xf32, #tpu.memory_space<vmem_shared>>, %arg11: memref<!tpu.dma_semaphore, #tpu.memory_space<semaphore_mem>>) attributes {dimension_semantics = [#tpu.dimension_semantics<core_parallel>, #tpu.dimension_semantics<subcore_parallel>], iteration_bounds = array<i64: 2, 16>, scalar_prefetch = 0 : i64, scratch_operands = 5 : i64, tpu.core_type = #tpu.core_type<sc_vector_subcore>, window_params = [{transform_indices = #map}, {transform_indices = #map}, {transform_indices = #map}, {transform_indices = #map}, {transform_indices = #map1}]} {
    %mul3A = arith.constant 16 : i32
    %mul3A_0 = arith.muli %arg0, %mul3A : i32
    %add3A = arith.addi %mul3A_0, %arg1 : i32
    %lt3A = arith.constant 15 : i32
    %lt3A_1 = arith.cmpi slt, %arg1, %lt3A : i32
    %convert_element_type3A = arith.extui %lt3A_1 : i1 to i32
    %cond3A = arith.constant 0 : i32
    %cond3A_2 = arith.cmpi ne, %convert_element_type3A, %cond3A : i32
    scf.if %cond3A_2 {
      %mul3A_27 = arith.constant 624 : i32
      %mul3A_28 = arith.muli %arg1, %mul3A_27 : i32
      "tpu.region"() ({
        %run_scoped3A = tpu.sem_alloc : memref<!tpu.dma_semaphore, #tpu.memory_space<semaphore_mem>>
        %dma_start3A = arith.constant 0 : i32
        %dma_start3A_29 = tpu.memref_slice %arg10[%mul3A_28, %dma_start3A] : memref<10000x128xf32, #tpu.memory_space<vmem_shared>> -> memref<624x128xf32, #tpu.memory_space<vmem_shared>>
        %dma_start3A_30 = arith.constant 0 : i32
        %dma_start3A_31 = arith.constant 0 : i32
        %dma_start3A_32 = tpu.memref_slice %arg5[%dma_start3A_30, %dma_start3A_31] : memref<640x128xf32, #tpu.memory_space<hbm>> -> memref<624x128xf32, #tpu.memory_space<hbm>>
        tpu.enqueue_dma source(%dma_start3A_32 : memref<624x128xf32, #tpu.memory_space<hbm>>) target(%dma_start3A_29 : memref<624x128xf32, #tpu.memory_space<vmem_shared>>) target_semaphore(%run_scoped3A : memref<!tpu.dma_semaphore, #tpu.memory_space<semaphore_mem>>)
        %dma_wait3A = arith.constant 0 : i32
        %dma_wait3A_33 = tpu.memref_slice %arg10[%mul3A_28, %dma_wait3A] : memref<10000x128xf32, #tpu.memory_space<vmem_shared>> -> memref<624x128xf32, #tpu.memory_space<vmem_shared>>
        %dma_wait3A_34 = arith.constant 0 : i32
        %dma_wait3A_35 = arith.constant 0 : i32
        %dma_wait3A_36 = tpu.memref_slice %arg5[%dma_wait3A_34, %dma_wait3A_35] : memref<640x128xf32, #tpu.memory_space<hbm>> -> memref<624x128xf32, #tpu.memory_space<hbm>>
        tpu.wait_dma2 semaphore(%run_scoped3A : memref<!tpu.dma_semaphore, #tpu.memory_space<semaphore_mem>>) src(%dma_wait3A_36 : memref<624x128xf32, #tpu.memory_space<hbm>>) dst(%dma_wait3A_33 : memref<624x128xf32, #tpu.memory_space<vmem_shared>>)
        tpu.yield
      }) : () -> ()
    } else {
    }
    %eq3A = arith.constant 15 : i32
    %eq3A_3 = arith.cmpi eq, %arg1, %eq3A : i32
    %convert_element_type3A_4 = arith.extui %eq3A_3 : i1 to i32
    %cond3A_5 = arith.constant 0 : i32
    %cond3A_6 = arith.cmpi ne, %convert_element_type3A_4, %cond3A_5 : i32
    scf.if %cond3A_6 {
      "tpu.region"() ({
        %run_scoped3A = tpu.sem_alloc : memref<!tpu.dma_semaphore, #tpu.memory_space<semaphore_mem>>
        %dma_start3A = arith.constant 9360 : i32
        %dma_start3A_27 = arith.constant 0 : i32
        %dma_start3A_28 = tpu.memref_slice %arg10[%dma_start3A, %dma_start3A_27] : memref<10000x128xf32, #tpu.memory_space<vmem_shared>> -> memref<640x128xf32, #tpu.memory_space<vmem_shared>>
        tpu.enqueue_dma source(%arg5 : memref<640x128xf32, #tpu.memory_space<hbm>>) target(%dma_start3A_28 : memref<640x128xf32, #tpu.memory_space<vmem_shared>>) target_semaphore(%run_scoped3A : memref<!tpu.dma_semaphore, #tpu.memory_space<semaphore_mem>>)
        %dma_wait3A = arith.constant 9360 : i32
        %dma_wait3A_29 = arith.constant 0 : i32
        %dma_wait3A_30 = tpu.memref_slice %arg10[%dma_wait3A, %dma_wait3A_29] : memref<10000x128xf32, #tpu.memory_space<vmem_shared>> -> memref<640x128xf32, #tpu.memory_space<vmem_shared>>
        tpu.wait_dma2 semaphore(%run_scoped3A : memref<!tpu.dma_semaphore, #tpu.memory_space<semaphore_mem>>) src(%arg5 : memref<640x128xf32, #tpu.memory_space<hbm>>) dst(%dma_wait3A_30 : memref<640x128xf32, #tpu.memory_space<vmem_shared>>)
        tpu.yield
      }) : () -> ()
    } else {
    }
    %mul3A_7 = arith.constant 80 : i32
    %mul3A_8 = arith.muli %add3A, %mul3A_7 : i32
    "tpu.region"() ({
      %run_scoped3A = tpu.sem_alloc : memref<!tpu.dma_semaphore, #tpu.memory_space<semaphore_mem>>
      %dma_start3A = arith.constant 0 : i32
      %dma_start3A_27 = tpu.memref_slice %arg3[%mul3A_8, %dma_start3A] : memref<2560x125xi32, #tpu.memory_space<hbm>> -> memref<80x125xi32, #tpu.memory_space<hbm>>
      %dma_start3A_28 = arith.constant 0 : i32
      %dma_start3A_29 = tpu.memref_slice %arg3[%mul3A_8, %dma_start3A_28] : memref<2560x125xi32, #tpu.memory_space<hbm>> -> memref<80x125xi32, #tpu.memory_space<hbm>>
      tpu.enqueue_dma source(%dma_start3A_29 : memref<80x125xi32, #tpu.memory_space<hbm>>) target(%arg7 : memref<80x125xi32, #tpu.memory_space<vmem>>) target_semaphore(%run_scoped3A : memref<!tpu.dma_semaphore, #tpu.memory_space<semaphore_mem>>)
      %dma_wait3A = arith.constant 0 : i32
      %dma_wait3A_30 = tpu.memref_slice %arg3[%mul3A_8, %dma_wait3A] : memref<2560x125xi32, #tpu.memory_space<hbm>> -> memref<80x125xi32, #tpu.memory_space<hbm>>
      %dma_wait3A_31 = arith.constant 0 : i32
      %dma_wait3A_32 = tpu.memref_slice %arg3[%mul3A_8, %dma_wait3A_31] : memref<2560x125xi32, #tpu.memory_space<hbm>> -> memref<80x125xi32, #tpu.memory_space<hbm>>
      tpu.wait_dma2 semaphore(%run_scoped3A : memref<!tpu.dma_semaphore, #tpu.memory_space<semaphore_mem>>) src(%dma_wait3A_32 : memref<80x125xi32, #tpu.memory_space<hbm>>) dst(%arg7 : memref<80x125xi32, #tpu.memory_space<vmem>>)
      tpu.yield
    }) : () -> ()
    %mul3A_9 = arith.constant 80 : i32
    %mul3A_10 = arith.muli %add3A, %mul3A_9 : i32
    "tpu.region"() ({
      %run_scoped3A = tpu.sem_alloc : memref<!tpu.dma_semaphore, #tpu.memory_space<semaphore_mem>>
      %dma_start3A = arith.constant 0 : i32
      %dma_start3A_27 = tpu.memref_slice %arg4[%mul3A_10, %dma_start3A] : memref<2560x125xi32, #tpu.memory_space<hbm>> -> memref<80x125xi32, #tpu.memory_space<hbm>>
      %dma_start3A_28 = arith.constant 0 : i32
      %dma_start3A_29 = tpu.memref_slice %arg4[%mul3A_10, %dma_start3A_28] : memref<2560x125xi32, #tpu.memory_space<hbm>> -> memref<80x125xi32, #tpu.memory_space<hbm>>
      tpu.enqueue_dma source(%dma_start3A_29 : memref<80x125xi32, #tpu.memory_space<hbm>>) target(%arg8 : memref<80x125xi32, #tpu.memory_space<vmem>>) target_semaphore(%run_scoped3A : memref<!tpu.dma_semaphore, #tpu.memory_space<semaphore_mem>>)
      %dma_wait3A = arith.constant 0 : i32
      %dma_wait3A_30 = tpu.memref_slice %arg4[%mul3A_10, %dma_wait3A] : memref<2560x125xi32, #tpu.memory_space<hbm>> -> memref<80x125xi32, #tpu.memory_space<hbm>>
      %dma_wait3A_31 = arith.constant 0 : i32
      %dma_wait3A_32 = tpu.memref_slice %arg4[%mul3A_10, %dma_wait3A_31] : memref<2560x125xi32, #tpu.memory_space<hbm>> -> memref<80x125xi32, #tpu.memory_space<hbm>>
      tpu.wait_dma2 semaphore(%run_scoped3A : memref<!tpu.dma_semaphore, #tpu.memory_space<semaphore_mem>>) src(%dma_wait3A_32 : memref<80x125xi32, #tpu.memory_space<hbm>>) dst(%arg8 : memref<80x125xi32, #tpu.memory_space<vmem>>)
      tpu.yield
    }) : () -> ()
    %barrier3A = arith.constant 0 : index
    tpu.barrier barrier_id(%barrier3A)
    %scan3A = arith.constant 0 : i32
    %scan3A_11 = arith.constant 0 : i32
    %scan3A_12 = arith.constant 80 : i32
    %scan3A_13 = arith.addi %scan3A_11, %scan3A_12 : i32
    %scan3A_14 = arith.constant 1 : i32
    scf.for %scan3A_27 = %scan3A_11 to %scan3A_13 step %scan3A_14  : i32 {
      %dma_start3A = arith.constant 0 : i32
      %dma_start3A_28 = tpu.memref_slice %arg7[%scan3A_27, %dma_start3A] : memref<80x125xi32, #tpu.memory_space<vmem>> -> memref<1x125xi32, #tpu.memory_space<vmem>>
      %dma_start3A_29 = tpu.memref_squeeze %dma_start3A_28 : memref<1x125xi32, #tpu.memory_space<vmem>> -> memref<125xi32, #tpu.memory_space<vmem>>
      %dma_start3A_30 = arith.constant 0 : i32
      %dma_start3A_31 = arith.constant 0 : i32
      %dma_start3A_32 = tpu.memref_slice %arg2[%dma_start3A_30, %dma_start3A_31] : memref<10000x128xf32, #tpu.memory_space<hbm>> -> memref<10000x128xf32, #tpu.memory_space<hbm>>
      tpu.enqueue_indirect_dma source(%dma_start3A_32 : memref<10000x128xf32, #tpu.memory_space<hbm>>) target(%arg9 : memref<125x128xf32, #tpu.memory_space<vmem>>) offsets(%dma_start3A_29 : memref<125xi32, #tpu.memory_space<vmem>>) semaphore(%arg11 : memref<!tpu.dma_semaphore, #tpu.memory_space<semaphore_mem>>)
      %dma_wait3A = arith.constant 0 : i32
      %dma_wait3A_33 = tpu.memref_slice %arg7[%scan3A_27, %dma_wait3A] : memref<80x125xi32, #tpu.memory_space<vmem>> -> memref<1x125xi32, #tpu.memory_space<vmem>>
      %dma_wait3A_34 = tpu.memref_squeeze %dma_wait3A_33 : memref<1x125xi32, #tpu.memory_space<vmem>> -> memref<125xi32, #tpu.memory_space<vmem>>
      %dma_wait3A_35 = arith.constant 0 : i32
      %dma_wait3A_36 = arith.constant 0 : i32
      %dma_wait3A_37 = tpu.memref_slice %arg2[%dma_wait3A_35, %dma_wait3A_36] : memref<10000x128xf32, #tpu.memory_space<hbm>> -> memref<10000x128xf32, #tpu.memory_space<hbm>>
      tpu.wait_indirect_dma semaphore(%arg11 : memref<!tpu.dma_semaphore, #tpu.memory_space<semaphore_mem>>) src(%dma_wait3A_37 : memref<10000x128xf32, #tpu.memory_space<hbm>>) dst(%arg9 : memref<125x128xf32, #tpu.memory_space<vmem>>)
      "tpu.region"() ({
        %run_scoped3A = tpu.sem_alloc : memref<!tpu.dma_semaphore, #tpu.memory_space<semaphore_mem>>
        %dma_start3A_38 = arith.constant 0 : i32
        %dma_start3A_39 = tpu.memref_slice %arg8[%scan3A_27, %dma_start3A_38] : memref<80x125xi32, #tpu.memory_space<vmem>> -> memref<1x125xi32, #tpu.memory_space<vmem>>
        %dma_start3A_40 = tpu.memref_squeeze %dma_start3A_39 : memref<1x125xi32, #tpu.memory_space<vmem>> -> memref<125xi32, #tpu.memory_space<vmem>>
        %dma_start3A_41 = arith.constant 0 : i32
        %dma_start3A_42 = arith.constant 0 : i32
        %dma_start3A_43 = tpu.memref_slice %arg10[%dma_start3A_41, %dma_start3A_42] : memref<10000x128xf32, #tpu.memory_space<vmem_shared>> -> memref<10000x128xf32, #tpu.memory_space<vmem_shared>>
        tpu.enqueue_indirect_dma source(%arg9 : memref<125x128xf32, #tpu.memory_space<vmem>>) target(%dma_start3A_43 : memref<10000x128xf32, #tpu.memory_space<vmem_shared>>) offsets(%dma_start3A_40 : memref<125xi32, #tpu.memory_space<vmem>>) semaphore(%run_scoped3A : memref<!tpu.dma_semaphore, #tpu.memory_space<semaphore_mem>>) {add = true}
        %dma_wait3A_44 = arith.constant 0 : i32
        %dma_wait3A_45 = tpu.memref_slice %arg8[%scan3A_27, %dma_wait3A_44] : memref<80x125xi32, #tpu.memory_space<vmem>> -> memref<1x125xi32, #tpu.memory_space<vmem>>
        %dma_wait3A_46 = tpu.memref_squeeze %dma_wait3A_45 : memref<1x125xi32, #tpu.memory_space<vmem>> -> memref<125xi32, #tpu.memory_space<vmem>>
        %dma_wait3A_47 = arith.constant 0 : i32
        %dma_wait3A_48 = arith.constant 0 : i32
        %dma_wait3A_49 = tpu.memref_slice %arg10[%dma_wait3A_47, %dma_wait3A_48] : memref<10000x128xf32, #tpu.memory_space<vmem_shared>> -> memref<10000x128xf32, #tpu.memory_space<vmem_shared>>
        tpu.wait_indirect_dma semaphore(%run_scoped3A : memref<!tpu.dma_semaphore, #tpu.memory_space<semaphore_mem>>) src(%arg9 : memref<125x128xf32, #tpu.memory_space<vmem>>) dst(%dma_wait3A_49 : memref<10000x128xf32, #tpu.memory_space<vmem_shared>>)
        tpu.yield
      }) : () -> ()
    }
    %scan3A_15 = arith.constant 80 : i32
    %barrier3A_16 = arith.constant 0 : index
    tpu.barrier barrier_id(%barrier3A_16)
    %lt3A_17 = arith.constant 15 : i32
    %lt3A_18 = arith.cmpi slt, %arg1, %lt3A_17 : i32
    %convert_element_type3A_19 = arith.extui %lt3A_18 : i1 to i32
    %cond3A_20 = arith.constant 0 : i32
    %cond3A_21 = arith.cmpi ne, %convert_element_type3A_19, %cond3A_20 : i32
    scf.if %cond3A_21 {
      %mul3A_27 = arith.constant 624 : i32
      %mul3A_28 = arith.muli %arg1, %mul3A_27 : i32
      %mul3A_29 = arith.constant 624 : i32
      %mul3A_30 = arith.muli %arg1, %mul3A_29 : i32
      "tpu.region"() ({
        %run_scoped3A = tpu.sem_alloc : memref<!tpu.dma_semaphore, #tpu.memory_space<semaphore_mem>>
        %dma_start3A = arith.constant 0 : i32
        %dma_start3A_31 = tpu.memref_slice %arg6[%arg0, %mul3A_30, %dma_start3A] : memref<2x10000x128xf32, #tpu.memory_space<hbm>> -> memref<1x624x128xf32, #tpu.memory_space<hbm>>
        %dma_start3A_32 = tpu.memref_squeeze %dma_start3A_31 : memref<1x624x128xf32, #tpu.memory_space<hbm>> -> memref<624x128xf32, #tpu.memory_space<hbm>>
        %dma_start3A_33 = arith.constant 0 : i32
        %dma_start3A_34 = tpu.memref_slice %arg10[%mul3A_28, %dma_start3A_33] : memref<10000x128xf32, #tpu.memory_space<vmem_shared>> -> memref<624x128xf32, #tpu.memory_space<vmem_shared>>
        tpu.enqueue_dma source(%dma_start3A_34 : memref<624x128xf32, #tpu.memory_space<vmem_shared>>) target(%dma_start3A_32 : memref<624x128xf32, #tpu.memory_space<hbm>>) target_semaphore(%run_scoped3A : memref<!tpu.dma_semaphore, #tpu.memory_space<semaphore_mem>>)
        %dma_wait3A = arith.constant 0 : i32
        %dma_wait3A_35 = tpu.memref_slice %arg6[%arg0, %mul3A_30, %dma_wait3A] : memref<2x10000x128xf32, #tpu.memory_space<hbm>> -> memref<1x624x128xf32, #tpu.memory_space<hbm>>
        %dma_wait3A_36 = tpu.memref_squeeze %dma_wait3A_35 : memref<1x624x128xf32, #tpu.memory_space<hbm>> -> memref<624x128xf32, #tpu.memory_space<hbm>>
        %dma_wait3A_37 = arith.constant 0 : i32
        %dma_wait3A_38 = tpu.memref_slice %arg10[%mul3A_28, %dma_wait3A_37] : memref<10000x128xf32, #tpu.memory_space<vmem_shared>> -> memref<624x128xf32, #tpu.memory_space<vmem_shared>>
        tpu.wait_dma2 semaphore(%run_scoped3A : memref<!tpu.dma_semaphore, #tpu.memory_space<semaphore_mem>>) src(%dma_wait3A_38 : memref<624x128xf32, #tpu.memory_space<vmem_shared>>) dst(%dma_wait3A_36 : memref<624x128xf32, #tpu.memory_space<hbm>>)
        tpu.yield
      }) : () -> ()
    } else {
    }
    %eq3A_22 = arith.constant 15 : i32
    %eq3A_23 = arith.cmpi eq, %arg1, %eq3A_22 : i32
    %convert_element_type3A_24 = arith.extui %eq3A_23 : i1 to i32
    %cond3A_25 = arith.constant 0 : i32
    %cond3A_26 = arith.cmpi ne, %convert_element_type3A_24, %cond3A_25 : i32
    scf.if %cond3A_26 {
      "tpu.region"() ({
        %run_scoped3A = tpu.sem_alloc : memref<!tpu.dma_semaphore, #tpu.memory_space<semaphore_mem>>
        %dma_start3A = arith.constant 9360 : i32
        %dma_start3A_27 = arith.constant 0 : i32
        %dma_start3A_28 = tpu.memref_slice %arg6[%arg0, %dma_start3A, %dma_start3A_27] : memref<2x10000x128xf32, #tpu.memory_space<hbm>> -> memref<1x640x128xf32, #tpu.memory_space<hbm>>
        %dma_start3A_29 = tpu.memref_squeeze %dma_start3A_28 : memref<1x640x128xf32, #tpu.memory_space<hbm>> -> memref<640x128xf32, #tpu.memory_space<hbm>>
        %dma_start3A_30 = arith.constant 9360 : i32
        %dma_start3A_31 = arith.constant 0 : i32
        %dma_start3A_32 = tpu.memref_slice %arg10[%dma_start3A_30, %dma_start3A_31] : memref<10000x128xf32, #tpu.memory_space<vmem_shared>> -> memref<640x128xf32, #tpu.memory_space<vmem_shared>>
        tpu.enqueue_dma source(%dma_start3A_32 : memref<640x128xf32, #tpu.memory_space<vmem_shared>>) target(%dma_start3A_29 : memref<640x128xf32, #tpu.memory_space<hbm>>) target_semaphore(%run_scoped3A : memref<!tpu.dma_semaphore, #tpu.memory_space<semaphore_mem>>)
        %dma_wait3A = arith.constant 9360 : i32
        %dma_wait3A_33 = arith.constant 0 : i32
        %dma_wait3A_34 = tpu.memref_slice %arg6[%arg0, %dma_wait3A, %dma_wait3A_33] : memref<2x10000x128xf32, #tpu.memory_space<hbm>> -> memref<1x640x128xf32, #tpu.memory_space<hbm>>
        %dma_wait3A_35 = tpu.memref_squeeze %dma_wait3A_34 : memref<1x640x128xf32, #tpu.memory_space<hbm>> -> memref<640x128xf32, #tpu.memory_space<hbm>>
        %dma_wait3A_36 = arith.constant 9360 : i32
        %dma_wait3A_37 = arith.constant 0 : i32
        %dma_wait3A_38 = tpu.memref_slice %arg10[%dma_wait3A_36, %dma_wait3A_37] : memref<10000x128xf32, #tpu.memory_space<vmem_shared>> -> memref<640x128xf32, #tpu.memory_space<vmem_shared>>
        tpu.wait_dma2 semaphore(%run_scoped3A : memref<!tpu.dma_semaphore, #tpu.memory_space<semaphore_mem>>) src(%dma_wait3A_38 : memref<640x128xf32, #tpu.memory_space<vmem_shared>>) dst(%dma_wait3A_35 : memref<640x128xf32, #tpu.memory_space<hbm>>)
        tpu.yield
      }) : () -> ()
    } else {
    }
    return
  }
}

#map = affine_map<(d0, d1) -> (0, 0)>
#map1 = affine_map<(d0, d1) -> (0, 0, 0)>
module attributes {stable_mosaic.version = 14 : i64} {
  func.func @_sc_segment_sum(%arg0: i32, %arg1: i32, %arg2: memref<10000x128xf32, #tpu.memory_space<hbm>>, %arg3: memref<2560x125xi32, #tpu.memory_space<hbm>>, %arg4: memref<2560x125xi32, #tpu.memory_space<hbm>>, %arg5: memref<640x128xf32, #tpu.memory_space<hbm>>, %arg6: memref<2x10000x128xf32, #tpu.memory_space<hbm>>, %arg7: memref<80x125xi32, #tpu.memory_space<vmem>>, %arg8: memref<80x125xi32, #tpu.memory_space<vmem>>, %arg9: memref<125x128xf32, #tpu.memory_space<vmem>>, %arg10: memref<10000x128xf32, #tpu.memory_space<vmem_shared>>, %arg11: memref<!tpu.dma_semaphore, #tpu.memory_space<semaphore_mem>>) attributes {dimension_semantics = [#tpu.dimension_semantics<core_parallel>, #tpu.dimension_semantics<subcore_parallel>], iteration_bounds = array<i64: 2, 16>, scalar_prefetch = 0 : i64, scratch_operands = 5 : i64, tpu.core_type = #tpu.core_type<sc_vector_subcore>, window_params = [{transform_indices = #map}, {transform_indices = #map}, {transform_indices = #map}, {transform_indices = #map}, {transform_indices = #map1}]} {
    %mul3A = arith.constant 16 : i32
    %mul3A_0 = arith.muli %arg0, %mul3A : i32
    %add3A = arith.addi %mul3A_0, %arg1 : i32
    %lt3A = arith.constant 15 : i32
    %lt3A_1 = arith.cmpi slt, %arg1, %lt3A : i32
    %convert_element_type3A = arith.extui %lt3A_1 : i1 to i32
    %cond3A = arith.constant 0 : i32
    %cond3A_2 = arith.cmpi ne, %convert_element_type3A, %cond3A : i32
    scf.if %cond3A_2 {
      %mul3A_27 = arith.constant 624 : i32
      %mul3A_28 = arith.muli %arg1, %mul3A_27 : i32
      "tpu.region"() ({
        %run_scoped3A = tpu.sem_alloc : memref<!tpu.dma_semaphore, #tpu.memory_space<semaphore_mem>>
        %dma_start3A = arith.constant 0 : i32
        %dma_start3A_29 = tpu.memref_slice %arg10[%mul3A_28, %dma_start3A] : memref<10000x128xf32, #tpu.memory_space<vmem_shared>> -> memref<624x128xf32, #tpu.memory_space<vmem_shared>>
        %dma_start3A_30 = arith.constant 0 : i32
        %dma_start3A_31 = arith.constant 0 : i32
        %dma_start3A_32 = tpu.memref_slice %arg5[%dma_start3A_30, %dma_start3A_31] : memref<640x128xf32, #tpu.memory_space<hbm>> -> memref<624x128xf32, #tpu.memory_space<hbm>>
        tpu.enqueue_dma source(%dma_start3A_32 : memref<624x128xf32, #tpu.memory_space<hbm>>) target(%dma_start3A_29 : memref<624x128xf32, #tpu.memory_space<vmem_shared>>) target_semaphore(%run_scoped3A : memref<!tpu.dma_semaphore, #tpu.memory_space<semaphore_mem>>)
        %dma_wait3A = arith.constant 0 : i32
        %dma_wait3A_33 = tpu.memref_slice %arg10[%mul3A_28, %dma_wait3A] : memref<10000x128xf32, #tpu.memory_space<vmem_shared>> -> memref<624x128xf32, #tpu.memory_space<vmem_shared>>
        %dma_wait3A_34 = arith.constant 0 : i32
        %dma_wait3A_35 = arith.constant 0 : i32
        %dma_wait3A_36 = tpu.memref_slice %arg5[%dma_wait3A_34, %dma_wait3A_35] : memref<640x128xf32, #tpu.memory_space<hbm>> -> memref<624x128xf32, #tpu.memory_space<hbm>>
        tpu.wait_dma2 semaphore(%run_scoped3A : memref<!tpu.dma_semaphore, #tpu.memory_space<semaphore_mem>>) src(%dma_wait3A_36 : memref<624x128xf32, #tpu.memory_space<hbm>>) dst(%dma_wait3A_33 : memref<624x128xf32, #tpu.memory_space<vmem_shared>>)
        tpu.yield
      }) : () -> ()
    } else {
    }
    %eq3A = arith.constant 15 : i32
    %eq3A_3 = arith.cmpi eq, %arg1, %eq3A : i32
    %convert_element_type3A_4 = arith.extui %eq3A_3 : i1 to i32
    %cond3A_5 = arith.constant 0 : i32
    %cond3A_6 = arith.cmpi ne, %convert_element_type3A_4, %cond3A_5 : i32
    scf.if %cond3A_6 {
      "tpu.region"() ({
        %run_scoped3A = tpu.sem_alloc : memref<!tpu.dma_semaphore, #tpu.memory_space<semaphore_mem>>
        %dma_start3A = arith.constant 9360 : i32
        %dma_start3A_27 = arith.constant 0 : i32
        %dma_start3A_28 = tpu.memref_slice %arg10[%dma_start3A, %dma_start3A_27] : memref<10000x128xf32, #tpu.memory_space<vmem_shared>> -> memref<640x128xf32, #tpu.memory_space<vmem_shared>>
        tpu.enqueue_dma source(%arg5 : memref<640x128xf32, #tpu.memory_space<hbm>>) target(%dma_start3A_28 : memref<640x128xf32, #tpu.memory_space<vmem_shared>>) target_semaphore(%run_scoped3A : memref<!tpu.dma_semaphore, #tpu.memory_space<semaphore_mem>>)
        %dma_wait3A = arith.constant 9360 : i32
        %dma_wait3A_29 = arith.constant 0 : i32
        %dma_wait3A_30 = tpu.memref_slice %arg10[%dma_wait3A, %dma_wait3A_29] : memref<10000x128xf32, #tpu.memory_space<vmem_shared>> -> memref<640x128xf32, #tpu.memory_space<vmem_shared>>
        tpu.wait_dma2 semaphore(%run_scoped3A : memref<!tpu.dma_semaphore, #tpu.memory_space<semaphore_mem>>) src(%arg5 : memref<640x128xf32, #tpu.memory_space<hbm>>) dst(%dma_wait3A_30 : memref<640x128xf32, #tpu.memory_space<vmem_shared>>)
        tpu.yield
      }) : () -> ()
    } else {
    }
    %mul3A_7 = arith.constant 80 : i32
    %mul3A_8 = arith.muli %add3A, %mul3A_7 : i32
    "tpu.region"() ({
      %run_scoped3A = tpu.sem_alloc : memref<!tpu.dma_semaphore, #tpu.memory_space<semaphore_mem>>
      %dma_start3A = arith.constant 0 : i32
      %dma_start3A_27 = tpu.memref_slice %arg3[%mul3A_8, %dma_start3A] : memref<2560x125xi32, #tpu.memory_space<hbm>> -> memref<80x125xi32, #tpu.memory_space<hbm>>
      %dma_start3A_28 = arith.constant 0 : i32
      %dma_start3A_29 = tpu.memref_slice %arg3[%mul3A_8, %dma_start3A_28] : memref<2560x125xi32, #tpu.memory_space<hbm>> -> memref<80x125xi32, #tpu.memory_space<hbm>>
      tpu.enqueue_dma source(%dma_start3A_29 : memref<80x125xi32, #tpu.memory_space<hbm>>) target(%arg7 : memref<80x125xi32, #tpu.memory_space<vmem>>) target_semaphore(%run_scoped3A : memref<!tpu.dma_semaphore, #tpu.memory_space<semaphore_mem>>)
      %dma_wait3A = arith.constant 0 : i32
      %dma_wait3A_30 = tpu.memref_slice %arg3[%mul3A_8, %dma_wait3A] : memref<2560x125xi32, #tpu.memory_space<hbm>> -> memref<80x125xi32, #tpu.memory_space<hbm>>
      %dma_wait3A_31 = arith.constant 0 : i32
      %dma_wait3A_32 = tpu.memref_slice %arg3[%mul3A_8, %dma_wait3A_31] : memref<2560x125xi32, #tpu.memory_space<hbm>> -> memref<80x125xi32, #tpu.memory_space<hbm>>
      tpu.wait_dma2 semaphore(%run_scoped3A : memref<!tpu.dma_semaphore, #tpu.memory_space<semaphore_mem>>) src(%dma_wait3A_32 : memref<80x125xi32, #tpu.memory_space<hbm>>) dst(%arg7 : memref<80x125xi32, #tpu.memory_space<vmem>>)
      tpu.yield
    }) : () -> ()
    %mul3A_9 = arith.constant 80 : i32
    %mul3A_10 = arith.muli %add3A, %mul3A_9 : i32
    "tpu.region"() ({
      %run_scoped3A = tpu.sem_alloc : memref<!tpu.dma_semaphore, #tpu.memory_space<semaphore_mem>>
      %dma_start3A = arith.constant 0 : i32
      %dma_start3A_27 = tpu.memref_slice %arg4[%mul3A_10, %dma_start3A] : memref<2560x125xi32, #tpu.memory_space<hbm>> -> memref<80x125xi32, #tpu.memory_space<hbm>>
      %dma_start3A_28 = arith.constant 0 : i32
      %dma_start3A_29 = tpu.memref_slice %arg4[%mul3A_10, %dma_start3A_28] : memref<2560x125xi32, #tpu.memory_space<hbm>> -> memref<80x125xi32, #tpu.memory_space<hbm>>
      tpu.enqueue_dma source(%dma_start3A_29 : memref<80x125xi32, #tpu.memory_space<hbm>>) target(%arg8 : memref<80x125xi32, #tpu.memory_space<vmem>>) target_semaphore(%run_scoped3A : memref<!tpu.dma_semaphore, #tpu.memory_space<semaphore_mem>>)
      %dma_wait3A = arith.constant 0 : i32
      %dma_wait3A_30 = tpu.memref_slice %arg4[%mul3A_10, %dma_wait3A] : memref<2560x125xi32, #tpu.memory_space<hbm>> -> memref<80x125xi32, #tpu.memory_space<hbm>>
      %dma_wait3A_31 = arith.constant 0 : i32
      %dma_wait3A_32 = tpu.memref_slice %arg4[%mul3A_10, %dma_wait3A_31] : memref<2560x125xi32, #tpu.memory_space<hbm>> -> memref<80x125xi32, #tpu.memory_space<hbm>>
      tpu.wait_dma2 semaphore(%run_scoped3A : memref<!tpu.dma_semaphore, #tpu.memory_space<semaphore_mem>>) src(%dma_wait3A_32 : memref<80x125xi32, #tpu.memory_space<hbm>>) dst(%arg8 : memref<80x125xi32, #tpu.memory_space<vmem>>)
      tpu.yield
    }) : () -> ()
    %barrier3A = arith.constant 0 : index
    tpu.barrier barrier_id(%barrier3A)
    %scan3A = arith.constant 0 : i32
    %scan3A_11 = arith.constant 0 : i32
    %scan3A_12 = arith.constant 80 : i32
    %scan3A_13 = arith.addi %scan3A_11, %scan3A_12 : i32
    %scan3A_14 = arith.constant 1 : i32
    scf.for %scan3A_27 = %scan3A_11 to %scan3A_13 step %scan3A_14  : i32 {
      %dma_start3A = arith.constant 0 : i32
      %dma_start3A_28 = tpu.memref_slice %arg7[%scan3A_27, %dma_start3A] : memref<80x125xi32, #tpu.memory_space<vmem>> -> memref<1x125xi32, #tpu.memory_space<vmem>>
      %dma_start3A_29 = tpu.memref_squeeze %dma_start3A_28 : memref<1x125xi32, #tpu.memory_space<vmem>> -> memref<125xi32, #tpu.memory_space<vmem>>
      %dma_start3A_30 = arith.constant 0 : i32
      %dma_start3A_31 = arith.constant 0 : i32
      %dma_start3A_32 = tpu.memref_slice %arg2[%dma_start3A_30, %dma_start3A_31] : memref<10000x128xf32, #tpu.memory_space<hbm>> -> memref<10000x128xf32, #tpu.memory_space<hbm>>
      tpu.enqueue_indirect_dma source(%dma_start3A_32 : memref<10000x128xf32, #tpu.memory_space<hbm>>) target(%arg9 : memref<125x128xf32, #tpu.memory_space<vmem>>) offsets(%dma_start3A_29 : memref<125xi32, #tpu.memory_space<vmem>>) semaphore(%arg11 : memref<!tpu.dma_semaphore, #tpu.memory_space<semaphore_mem>>)
      %dma_wait3A = arith.constant 0 : i32
      %dma_wait3A_33 = tpu.memref_slice %arg7[%scan3A_27, %dma_wait3A] : memref<80x125xi32, #tpu.memory_space<vmem>> -> memref<1x125xi32, #tpu.memory_space<vmem>>
      %dma_wait3A_34 = tpu.memref_squeeze %dma_wait3A_33 : memref<1x125xi32, #tpu.memory_space<vmem>> -> memref<125xi32, #tpu.memory_space<vmem>>
      %dma_wait3A_35 = arith.constant 0 : i32
      %dma_wait3A_36 = arith.constant 0 : i32
      %dma_wait3A_37 = tpu.memref_slice %arg2[%dma_wait3A_35, %dma_wait3A_36] : memref<10000x128xf32, #tpu.memory_space<hbm>> -> memref<10000x128xf32, #tpu.memory_space<hbm>>
      tpu.wait_indirect_dma semaphore(%arg11 : memref<!tpu.dma_semaphore, #tpu.memory_space<semaphore_mem>>) src(%dma_wait3A_37 : memref<10000x128xf32, #tpu.memory_space<hbm>>) dst(%arg9 : memref<125x128xf32, #tpu.memory_space<vmem>>)
      "tpu.region"() ({
        %run_scoped3A = tpu.sem_alloc : memref<!tpu.dma_semaphore, #tpu.memory_space<semaphore_mem>>
        %dma_start3A_38 = arith.constant 0 : i32
        %dma_start3A_39 = tpu.memref_slice %arg8[%scan3A_27, %dma_start3A_38] : memref<80x125xi32, #tpu.memory_space<vmem>> -> memref<1x125xi32, #tpu.memory_space<vmem>>
        %dma_start3A_40 = tpu.memref_squeeze %dma_start3A_39 : memref<1x125xi32, #tpu.memory_space<vmem>> -> memref<125xi32, #tpu.memory_space<vmem>>
        %dma_start3A_41 = arith.constant 0 : i32
        %dma_start3A_42 = arith.constant 0 : i32
        %dma_start3A_43 = tpu.memref_slice %arg10[%dma_start3A_41, %dma_start3A_42] : memref<10000x128xf32, #tpu.memory_space<vmem_shared>> -> memref<10000x128xf32, #tpu.memory_space<vmem_shared>>
        tpu.enqueue_indirect_dma source(%arg9 : memref<125x128xf32, #tpu.memory_space<vmem>>) target(%dma_start3A_43 : memref<10000x128xf32, #tpu.memory_space<vmem_shared>>) offsets(%dma_start3A_40 : memref<125xi32, #tpu.memory_space<vmem>>) semaphore(%run_scoped3A : memref<!tpu.dma_semaphore, #tpu.memory_space<semaphore_mem>>) {add = true}
        %dma_wait3A_44 = arith.constant 0 : i32
        %dma_wait3A_45 = tpu.memref_slice %arg8[%scan3A_27, %dma_wait3A_44] : memref<80x125xi32, #tpu.memory_space<vmem>> -> memref<1x125xi32, #tpu.memory_space<vmem>>
        %dma_wait3A_46 = tpu.memref_squeeze %dma_wait3A_45 : memref<1x125xi32, #tpu.memory_space<vmem>> -> memref<125xi32, #tpu.memory_space<vmem>>
        %dma_wait3A_47 = arith.constant 0 : i32
        %dma_wait3A_48 = arith.constant 0 : i32
        %dma_wait3A_49 = tpu.memref_slice %arg10[%dma_wait3A_47, %dma_wait3A_48] : memref<10000x128xf32, #tpu.memory_space<vmem_shared>> -> memref<10000x128xf32, #tpu.memory_space<vmem_shared>>
        tpu.wait_indirect_dma semaphore(%run_scoped3A : memref<!tpu.dma_semaphore, #tpu.memory_space<semaphore_mem>>) src(%arg9 : memref<125x128xf32, #tpu.memory_space<vmem>>) dst(%dma_wait3A_49 : memref<10000x128xf32, #tpu.memory_space<vmem_shared>>)
        tpu.yield
      }) : () -> ()
    }
    %scan3A_15 = arith.constant 80 : i32
    %barrier3A_16 = arith.constant 0 : index
    tpu.barrier barrier_id(%barrier3A_16)
    %lt3A_17 = arith.constant 15 : i32
    %lt3A_18 = arith.cmpi slt, %arg1, %lt3A_17 : i32
    %convert_element_type3A_19 = arith.extui %lt3A_18 : i1 to i32
    %cond3A_20 = arith.constant 0 : i32
    %cond3A_21 = arith.cmpi ne, %convert_element_type3A_19, %cond3A_20 : i32
    scf.if %cond3A_21 {
      %mul3A_27 = arith.constant 624 : i32
      %mul3A_28 = arith.muli %arg1, %mul3A_27 : i32
      %mul3A_29 = arith.constant 624 : i32
      %mul3A_30 = arith.muli %arg1, %mul3A_29 : i32
      "tpu.region"() ({
        %run_scoped3A = tpu.sem_alloc : memref<!tpu.dma_semaphore, #tpu.memory_space<semaphore_mem>>
        %dma_start3A = arith.constant 0 : i32
        %dma_start3A_31 = tpu.memref_slice %arg6[%arg0, %mul3A_30, %dma_start3A] : memref<2x10000x128xf32, #tpu.memory_space<hbm>> -> memref<1x624x128xf32, #tpu.memory_space<hbm>>
        %dma_start3A_32 = tpu.memref_squeeze %dma_start3A_31 : memref<1x624x128xf32, #tpu.memory_space<hbm>> -> memref<624x128xf32, #tpu.memory_space<hbm>>
        %dma_start3A_33 = arith.constant 0 : i32
        %dma_start3A_34 = tpu.memref_slice %arg10[%mul3A_28, %dma_start3A_33] : memref<10000x128xf32, #tpu.memory_space<vmem_shared>> -> memref<624x128xf32, #tpu.memory_space<vmem_shared>>
        tpu.enqueue_dma source(%dma_start3A_34 : memref<624x128xf32, #tpu.memory_space<vmem_shared>>) target(%dma_start3A_32 : memref<624x128xf32, #tpu.memory_space<hbm>>) target_semaphore(%run_scoped3A : memref<!tpu.dma_semaphore, #tpu.memory_space<semaphore_mem>>)
        %dma_wait3A = arith.constant 0 : i32
        %dma_wait3A_35 = tpu.memref_slice %arg6[%arg0, %mul3A_30, %dma_wait3A] : memref<2x10000x128xf32, #tpu.memory_space<hbm>> -> memref<1x624x128xf32, #tpu.memory_space<hbm>>
        %dma_wait3A_36 = tpu.memref_squeeze %dma_wait3A_35 : memref<1x624x128xf32, #tpu.memory_space<hbm>> -> memref<624x128xf32, #tpu.memory_space<hbm>>
        %dma_wait3A_37 = arith.constant 0 : i32
        %dma_wait3A_38 = tpu.memref_slice %arg10[%mul3A_28, %dma_wait3A_37] : memref<10000x128xf32, #tpu.memory_space<vmem_shared>> -> memref<624x128xf32, #tpu.memory_space<vmem_shared>>
        tpu.wait_dma2 semaphore(%run_scoped3A : memref<!tpu.dma_semaphore, #tpu.memory_space<semaphore_mem>>) src(%dma_wait3A_38 : memref<624x128xf32, #tpu.memory_space<vmem_shared>>) dst(%dma_wait3A_36 : memref<624x128xf32, #tpu.memory_space<hbm>>)
        tpu.yield
      }) : () -> ()
    } else {
    }
    %eq3A_22 = arith.constant 15 : i32
    %eq3A_23 = arith.cmpi eq, %arg1, %eq3A_22 : i32
    %convert_element_type3A_24 = arith.extui %eq3A_23 : i1 to i32
    %cond3A_25 = arith.constant 0 : i32
    %cond3A_26 = arith.cmpi ne, %convert_element_type3A_24, %cond3A_25 : i32
    scf.if %cond3A_26 {
      "tpu.region"() ({
        %run_scoped3A = tpu.sem_alloc : memref<!tpu.dma_semaphore, #tpu.memory_space<semaphore_mem>>
        %dma_start3A = arith.constant 9360 : i32
        %dma_start3A_27 = arith.constant 0 : i32
        %dma_start3A_28 = tpu.memref_slice %arg6[%arg0, %dma_start3A, %dma_start3A_27] : memref<2x10000x128xf32, #tpu.memory_space<hbm>> -> memref<1x640x128xf32, #tpu.memory_space<hbm>>
        %dma_start3A_29 = tpu.memref_squeeze %dma_start3A_28 : memref<1x640x128xf32, #tpu.memory_space<hbm>> -> memref<640x128xf32, #tpu.memory_space<hbm>>
        %dma_start3A_30 = arith.constant 9360 : i32
        %dma_start3A_31 = arith.constant 0 : i32
        %dma_start3A_32 = tpu.memref_slice %arg10[%dma_start3A_30, %dma_start3A_31] : memref<10000x128xf32, #tpu.memory_space<vmem_shared>> -> memref<640x128xf32, #tpu.memory_space<vmem_shared>>
        tpu.enqueue_dma source(%dma_start3A_32 : memref<640x128xf32, #tpu.memory_space<vmem_shared>>) target(%dma_start3A_29 : memref<640x128xf32, #tpu.memory_space<hbm>>) target_semaphore(%run_scoped3A : memref<!tpu.dma_semaphore, #tpu.memory_space<semaphore_mem>>)
        %dma_wait3A = arith.constant 9360 : i32
        %dma_wait3A_33 = arith.constant 0 : i32
        %dma_wait3A_34 = tpu.memref_slice %arg6[%arg0, %dma_wait3A, %dma_wait3A_33] : memref<2x10000x128xf32, #tpu.memory_space<hbm>> -> memref<1x640x128xf32, #tpu.memory_space<hbm>>
        %dma_wait3A_35 = tpu.memref_squeeze %dma_wait3A_34 : memref<1x640x128xf32, #tpu.memory_space<hbm>> -> memref<640x128xf32, #tpu.memory_space<hbm>>
        %dma_wait3A_36 = arith.constant 9360 : i32
        %dma_wait3A_37 = arith.constant 0 : i32
        %dma_wait3A_38 = tpu.memref_slice %arg10[%dma_wait3A_36, %dma_wait3A_37] : memref<10000x128xf32, #tpu.memory_space<vmem_shared>> -> memref<640x128xf32, #tpu.memory_space<vmem_shared>>
        tpu.wait_dma2 semaphore(%run_scoped3A : memref<!tpu.dma_semaphore, #tpu.memory_space<semaphore_mem>>) src(%dma_wait3A_38 : memref<640x128xf32, #tpu.memory_space<vmem_shared>>) dst(%dma_wait3A_35 : memref<640x128xf32, #tpu.memory_space<hbm>>)
        tpu.yield
      }) : () -> ()
    } else {
    }
    return
  }
}

module attributes {stable_mosaic.version = 14 : i64} {
  func.func @_tc_layer_body(%arg0: memref<10000x128xf32, #tpu.memory_space<vmem>>, %arg1: memref<10000x128xf32, #tpu.memory_space<vmem>>, %arg2: memref<10000x128xf32, #tpu.memory_space<vmem>>, %arg3: memref<128x128xf32, #tpu.memory_space<vmem>>, %arg4: memref<1x128xf32, #tpu.memory_space<vmem>>, %arg5: memref<1x128xf32, #tpu.memory_space<vmem>>, %arg6: memref<1x128xf32, #tpu.memory_space<vmem>>, %arg7: memref<128x128xf32, #tpu.memory_space<vmem>>, %arg8: memref<1x128xf32, #tpu.memory_space<vmem>>, %arg9: memref<10000x128xf32, #tpu.memory_space<vmem>>) attributes {dimension_semantics = [], scalar_prefetch = 0 : i64, scratch_operands = 0 : i64, tpu.core_type = #tpu.core_type<tc>} {
    %get3A = arith.constant 0 : index
    %get3A_0 = arith.constant 0 : index
    %get3A_1 = vector.load %arg0[%get3A, %get3A_0] : memref<10000x128xf32, #tpu.memory_space<vmem>>, vector<10000x128xf32>
    %get3A_2 = arith.constant 0 : index
    %get3A_3 = arith.constant 0 : index
    %get3A_4 = vector.load %arg1[%get3A_2, %get3A_3] : memref<10000x128xf32, #tpu.memory_space<vmem>>, vector<10000x128xf32>
    %add3A = arith.addf %get3A_1, %get3A_4 : vector<10000x128xf32>
    %get3A_5 = arith.constant 0 : index
    %get3A_6 = arith.constant 0 : index
    %get3A_7 = vector.load %arg2[%get3A_5, %get3A_6] : memref<10000x128xf32, #tpu.memory_space<vmem>>, vector<10000x128xf32>
    %add3A_8 = arith.addf %add3A, %get3A_7 : vector<10000x128xf32>
    %get3A_9 = arith.constant 0 : index
    %get3A_10 = arith.constant 0 : index
    %get3A_11 = vector.load %arg3[%get3A_9, %get3A_10] : memref<128x128xf32, #tpu.memory_space<vmem>>, vector<128x128xf32>
    %dot_general3A = arith.constant dense<0.000000e+00> : vector<10000x128xf32>
    %dot_general3A_12 = tpu.matmul %add3A_8, %get3A_11, %dot_general3A {dimension_numbers = #tpu.dot_dimension_numbers<[1], [0], [0], [1], [0, 0, 1, 1], [], []>, transpose_lhs_hint = false} : vector<10000x128xf32>, vector<128x128xf32>, vector<10000x128xf32> -> vector<10000x128xf32>
    %get3A_13 = arith.constant 0 : index
    %get3A_14 = arith.constant 0 : index
    %get3A_15 = vector.load %arg4[%get3A_13, %get3A_14] : memref<1x128xf32, #tpu.memory_space<vmem>>, vector<1x128xf32>
    %add3A_16 = vector.broadcast %get3A_15 : vector<1x128xf32> to vector<10000x128xf32>
    %add3A_17 = arith.addf %dot_general3A_12, %add3A_16 : vector<10000x128xf32>
    %ge3A = arith.constant 0.000000e+00 : f32
    %ge3A_18 = vector.broadcast %ge3A : f32 to vector<10000x128xf32>
    %ge3A_19 = arith.cmpf oge, %add3A_17, %ge3A_18 : vector<10000x128xf32>
    %mul3A = arith.constant 2.000000e-01 : f32
    %mul3A_20 = vector.broadcast %mul3A : f32 to vector<10000x128xf32>
    %mul3A_21 = arith.mulf %mul3A_20, %add3A_17 : vector<10000x128xf32>
    %select_n3A = arith.select %ge3A_19, %add3A_17, %mul3A_21 : vector<10000x128xi1>, vector<10000x128xf32>
    %reduce_sum3A = arith.constant dense<0.000000e+00> : vector<128xf32>
    %reduce_sum3A_22 = vector.multi_reduction <add>, %select_n3A, %reduce_sum3A [0] : vector<10000x128xf32> to vector<128xf32>
    %broadcast_in_dim3A = vector.shape_cast %reduce_sum3A_22 : vector<128xf32> to vector<1x128xf32>
    %div3A = arith.constant 1.000000e+04 : f32
    %div3A_23 = vector.broadcast %div3A : f32 to vector<1x128xf32>
    %div3A_24 = arith.divf %broadcast_in_dim3A, %div3A_23 : vector<1x128xf32>
    %sub3A = vector.broadcast %div3A_24 : vector<1x128xf32> to vector<10000x128xf32>
    %sub3A_25 = arith.subf %select_n3A, %sub3A : vector<10000x128xf32>
    %sub3A_26 = vector.broadcast %div3A_24 : vector<1x128xf32> to vector<10000x128xf32>
    %sub3A_27 = arith.subf %select_n3A, %sub3A_26 : vector<10000x128xf32>
    %mul3A_28 = arith.mulf %sub3A_25, %sub3A_27 : vector<10000x128xf32>
    %reduce_sum3A_29 = arith.constant dense<0.000000e+00> : vector<128xf32>
    %reduce_sum3A_30 = vector.multi_reduction <add>, %mul3A_28, %reduce_sum3A_29 [0] : vector<10000x128xf32> to vector<128xf32>
    %broadcast_in_dim3A_31 = vector.shape_cast %reduce_sum3A_30 : vector<128xf32> to vector<1x128xf32>
    %div3A_32 = arith.constant 1.000000e+04 : f32
    %div3A_33 = vector.broadcast %div3A_32 : f32 to vector<1x128xf32>
    %div3A_34 = arith.divf %broadcast_in_dim3A_31, %div3A_33 : vector<1x128xf32>
    %sub3A_35 = vector.broadcast %div3A_24 : vector<1x128xf32> to vector<10000x128xf32>
    %sub3A_36 = arith.subf %select_n3A, %sub3A_35 : vector<10000x128xf32>
    %add3A_37 = arith.constant 9.99999974E-6 : f32
    %add3A_38 = vector.broadcast %add3A_37 : f32 to vector<1x128xf32>
    %add3A_39 = arith.addf %div3A_34, %add3A_38 : vector<1x128xf32>
    %sqrt3A = math.sqrt %add3A_39 : vector<1x128xf32>
    %div3A_40 = vector.broadcast %sqrt3A : vector<1x128xf32> to vector<10000x128xf32>
    %div3A_41 = arith.divf %sub3A_36, %div3A_40 : vector<10000x128xf32>
    %get3A_42 = arith.constant 0 : index
    %get3A_43 = arith.constant 0 : index
    %get3A_44 = vector.load %arg5[%get3A_42, %get3A_43] : memref<1x128xf32, #tpu.memory_space<vmem>>, vector<1x128xf32>
    %mul3A_45 = vector.broadcast %get3A_44 : vector<1x128xf32> to vector<10000x128xf32>
    %mul3A_46 = arith.mulf %div3A_41, %mul3A_45 : vector<10000x128xf32>
    %get3A_47 = arith.constant 0 : index
    %get3A_48 = arith.constant 0 : index
    %get3A_49 = vector.load %arg6[%get3A_47, %get3A_48] : memref<1x128xf32, #tpu.memory_space<vmem>>, vector<1x128xf32>
    %add3A_50 = vector.broadcast %get3A_49 : vector<1x128xf32> to vector<10000x128xf32>
    %add3A_51 = arith.addf %mul3A_46, %add3A_50 : vector<10000x128xf32>
    %get3A_52 = arith.constant 0 : index
    %get3A_53 = arith.constant 0 : index
    %get3A_54 = vector.load %arg7[%get3A_52, %get3A_53] : memref<128x128xf32, #tpu.memory_space<vmem>>, vector<128x128xf32>
    %dot_general3A_55 = arith.constant dense<0.000000e+00> : vector<10000x128xf32>
    %dot_general3A_56 = tpu.matmul %add3A_51, %get3A_54, %dot_general3A_55 {dimension_numbers = #tpu.dot_dimension_numbers<[1], [0], [0], [1], [0, 0, 1, 1], [], []>, transpose_lhs_hint = false} : vector<10000x128xf32>, vector<128x128xf32>, vector<10000x128xf32> -> vector<10000x128xf32>
    %get3A_57 = arith.constant 0 : index
    %get3A_58 = arith.constant 0 : index
    %get3A_59 = vector.load %arg8[%get3A_57, %get3A_58] : memref<1x128xf32, #tpu.memory_space<vmem>>, vector<1x128xf32>
    %add3A_60 = vector.broadcast %get3A_59 : vector<1x128xf32> to vector<10000x128xf32>
    %add3A_61 = arith.addf %dot_general3A_56, %add3A_60 : vector<10000x128xf32>
    %ge3A_62 = arith.constant 0.000000e+00 : f32
    %ge3A_63 = vector.broadcast %ge3A_62 : f32 to vector<10000x128xf32>
    %ge3A_64 = arith.cmpf oge, %add3A_61, %ge3A_63 : vector<10000x128xf32>
    %mul3A_65 = arith.constant 2.000000e-01 : f32
    %mul3A_66 = vector.broadcast %mul3A_65 : f32 to vector<10000x128xf32>
    %mul3A_67 = arith.mulf %mul3A_66, %add3A_61 : vector<10000x128xf32>
    %select_n3A_68 = arith.select %ge3A_64, %add3A_61, %mul3A_67 : vector<10000x128xi1>, vector<10000x128xf32>
    %ge3A_69 = arith.constant 0.000000e+00 : f32
    %ge3A_70 = vector.broadcast %ge3A_69 : f32 to vector<10000x128xf32>
    %ge3A_71 = arith.cmpf oge, %select_n3A_68, %ge3A_70 : vector<10000x128xf32>
    %mul3A_72 = arith.constant 2.000000e-01 : f32
    %mul3A_73 = vector.broadcast %mul3A_72 : f32 to vector<10000x128xf32>
    %mul3A_74 = arith.mulf %mul3A_73, %select_n3A_68 : vector<10000x128xf32>
    %select_n3A_75 = arith.select %ge3A_71, %select_n3A_68, %mul3A_74 : vector<10000x128xi1>, vector<10000x128xf32>
    %get3A_76 = arith.constant 0 : index
    %get3A_77 = arith.constant 0 : index
    %get3A_78 = vector.load %arg0[%get3A_76, %get3A_77] : memref<10000x128xf32, #tpu.memory_space<vmem>>, vector<10000x128xf32>
    %add3A_79 = arith.addf %select_n3A_75, %get3A_78 : vector<10000x128xf32>
    %swap3A = arith.constant 0 : index
    %swap3A_80 = arith.constant 0 : index
    %swap3A_81 = vector.load %arg9[%swap3A, %swap3A_80] : memref<10000x128xf32, #tpu.memory_space<vmem>>, vector<10000x128xf32>
    tpu.vector_store %arg9[%swap3A, %swap3A_80], %add3A_79 {strides = array<i32>} : memref<10000x128xf32, #tpu.memory_space<vmem>>, vector<10000x128xf32>,
    return
  }
}

module attributes {stable_mosaic.version = 14 : i64} {
  func.func @_tc_final_body(%arg0: memref<10000x128xf32, #tpu.memory_space<vmem>>, %arg1: memref<1x10000xi32, #tpu.memory_space<vmem>>, %arg2: memref<1x128xf32, #tpu.memory_space<vmem>>, %arg3: memref<1x128xf32, #tpu.memory_space<vmem>>, %arg4: memref<128x64xf32, #tpu.memory_space<vmem>>, %arg5: memref<1x64xf32, #tpu.memory_space<vmem>>, %arg6: memref<128x64xf32, #tpu.memory_space<vmem>>) attributes {dimension_semantics = [], scalar_prefetch = 0 : i64, scratch_operands = 0 : i64, tpu.core_type = #tpu.core_type<tc>} {
    %iota3A = tpu.iota {dimensions = array<i32: 0>} : vector<128x10000xi32>
    %get3A = arith.constant 0 : index
    %get3A_0 = arith.constant 0 : index
    %get3A_1 = vector.load %arg1[%get3A, %get3A_0] : memref<1x10000xi32, #tpu.memory_space<vmem>>, vector<1x10000xi32>
    %eq3A = vector.broadcast %get3A_1 : vector<1x10000xi32> to vector<128x10000xi32>
    %eq3A_2 = arith.cmpi eq, %eq3A, %iota3A : vector<128x10000xi32>
    %convert_element_type3A = arith.extui %eq3A_2 : vector<128x10000xi1> to vector<128x10000xi32>
    %convert_element_type3A_3 = arith.sitofp %convert_element_type3A : vector<128x10000xi32> to vector<128x10000xf32>
    %get3A_4 = arith.constant 0 : index
    %get3A_5 = arith.constant 0 : index
    %get3A_6 = vector.load %arg0[%get3A_4, %get3A_5] : memref<10000x128xf32, #tpu.memory_space<vmem>>, vector<10000x128xf32>
    %dot_general3A = arith.constant dense<0.000000e+00> : vector<128x128xf32>
    %dot_general3A_7 = tpu.matmul %convert_element_type3A_3, %get3A_6, %dot_general3A {dimension_numbers = #tpu.dot_dimension_numbers<[1], [0], [0], [1], [0, 0, 1, 1], [], []>, transpose_lhs_hint = false} : vector<128x10000xf32>, vector<10000x128xf32>, vector<128x128xf32> -> vector<128x128xf32>
    %reduce_sum3A = arith.constant dense<0.000000e+00> : vector<128xf32>
    %reduce_sum3A_8 = vector.multi_reduction <add>, %dot_general3A_7, %reduce_sum3A [0] : vector<128x128xf32> to vector<128xf32>
    %broadcast_in_dim3A = vector.shape_cast %reduce_sum3A_8 : vector<128xf32> to vector<1x128xf32>
    %div3A = arith.constant 1.280000e+02 : f32
    %div3A_9 = vector.broadcast %div3A : f32 to vector<1x128xf32>
    %div3A_10 = arith.divf %broadcast_in_dim3A, %div3A_9 : vector<1x128xf32>
    %sub3A = vector.broadcast %div3A_10 : vector<1x128xf32> to vector<128x128xf32>
    %sub3A_11 = arith.subf %dot_general3A_7, %sub3A : vector<128x128xf32>
    %sub3A_12 = vector.broadcast %div3A_10 : vector<1x128xf32> to vector<128x128xf32>
    %sub3A_13 = arith.subf %dot_general3A_7, %sub3A_12 : vector<128x128xf32>
    %mul3A = arith.mulf %sub3A_11, %sub3A_13 : vector<128x128xf32>
    %reduce_sum3A_14 = arith.constant dense<0.000000e+00> : vector<128xf32>
    %reduce_sum3A_15 = vector.multi_reduction <add>, %mul3A, %reduce_sum3A_14 [0] : vector<128x128xf32> to vector<128xf32>
    %broadcast_in_dim3A_16 = vector.shape_cast %reduce_sum3A_15 : vector<128xf32> to vector<1x128xf32>
    %div3A_17 = arith.constant 1.280000e+02 : f32
    %div3A_18 = vector.broadcast %div3A_17 : f32 to vector<1x128xf32>
    %div3A_19 = arith.divf %broadcast_in_dim3A_16, %div3A_18 : vector<1x128xf32>
    %sub3A_20 = vector.broadcast %div3A_10 : vector<1x128xf32> to vector<128x128xf32>
    %sub3A_21 = arith.subf %dot_general3A_7, %sub3A_20 : vector<128x128xf32>
    %add3A = arith.constant 9.99999974E-6 : f32
    %add3A_22 = vector.broadcast %add3A : f32 to vector<1x128xf32>
    %add3A_23 = arith.addf %div3A_19, %add3A_22 : vector<1x128xf32>
    %sqrt3A = math.sqrt %add3A_23 : vector<1x128xf32>
    %div3A_24 = vector.broadcast %sqrt3A : vector<1x128xf32> to vector<128x128xf32>
    %div3A_25 = arith.divf %sub3A_21, %div3A_24 : vector<128x128xf32>
    %get3A_26 = arith.constant 0 : index
    %get3A_27 = arith.constant 0 : index
    %get3A_28 = vector.load %arg2[%get3A_26, %get3A_27] : memref<1x128xf32, #tpu.memory_space<vmem>>, vector<1x128xf32>
    %mul3A_29 = vector.broadcast %get3A_28 : vector<1x128xf32> to vector<128x128xf32>
    %mul3A_30 = arith.mulf %div3A_25, %mul3A_29 : vector<128x128xf32>
    %get3A_31 = arith.constant 0 : index
    %get3A_32 = arith.constant 0 : index
    %get3A_33 = vector.load %arg3[%get3A_31, %get3A_32] : memref<1x128xf32, #tpu.memory_space<vmem>>, vector<1x128xf32>
    %add3A_34 = vector.broadcast %get3A_33 : vector<1x128xf32> to vector<128x128xf32>
    %add3A_35 = arith.addf %mul3A_30, %add3A_34 : vector<128x128xf32>
    %get3A_36 = arith.constant 0 : index
    %get3A_37 = arith.constant 0 : index
    %get3A_38 = vector.load %arg4[%get3A_36, %get3A_37] : memref<128x64xf32, #tpu.memory_space<vmem>>, vector<128x64xf32>
    %dot_general3A_39 = arith.constant dense<0.000000e+00> : vector<128x64xf32>
    %dot_general3A_40 = tpu.matmul %add3A_35, %get3A_38, %dot_general3A_39 {dimension_numbers = #tpu.dot_dimension_numbers<[1], [0], [0], [1], [0, 0, 1, 1], [], []>, transpose_lhs_hint = false} : vector<128x128xf32>, vector<128x64xf32>, vector<128x64xf32> -> vector<128x64xf32>
    %get3A_41 = arith.constant 0 : index
    %get3A_42 = arith.constant 0 : index
    %get3A_43 = vector.load %arg5[%get3A_41, %get3A_42] : memref<1x64xf32, #tpu.memory_space<vmem>>, vector<1x64xf32>
    %add3A_44 = vector.broadcast %get3A_43 : vector<1x64xf32> to vector<128x64xf32>
    %add3A_45 = arith.addf %dot_general3A_40, %add3A_44 : vector<128x64xf32>
    %swap3A = arith.constant 0 : index
    %swap3A_46 = arith.constant 0 : index
    %swap3A_47 = vector.load %arg6[%swap3A, %swap3A_46] : memref<128x64xf32, #tpu.memory_space<vmem>>, vector<128x64xf32>
    tpu.vector_store %arg6[%swap3A, %swap3A_46], %add3A_45 {strides = array<i32>} : memref<128x64xf32, #tpu.memory_space<vmem>>, vector<128x64xf32>,
    return
  }
}

</mosaic_0001>

<sc_bundles>
// kernel: kernel.12.cloned.1.call-start
scs
__scs_entry_jumppad:
0x0: {  	(pc) =	sbr.rel $0x88, $3  }
0x1: {  	(tag) =	ssettag $0x0;
	lr =	simm.s32 $0x1  }
0x2: {  	[smem:$0x3F88] =	sst lr;
	_ =	strace $0xD0000000  }
0x3: {  	_ = 	snop  }
0x4: {  	_ = 	snop  }
0x5: {  	_ = 	snop  }
0x6: {  	_ = 	snop  }
0x7: {  	_ = 	snop  }
__scs_overlays_trampoline_lowered:
0x8: {  	[smem:$0x3F97] =	sst s0  }
0x9: {  	[smem:$0x3F98] =	sst s1  }
0xa: {  	[smem:$0x3F99] =	sst s2  }
0xb: {  	[smem:$0x3F9A] =	sst s3  }
0xc: {  	[smem:$0x3F9B] =	sst s4  }
0xd: {  	[smem:$0x3F9C] =	sst s5  }
0xe: {  	[smem:$0x3F9D] =	sst s6  }
0xf: {  	[smem:$0x3F9E] =	sst s7  }
0x10: {  	[smem:$0x3F9F] =	sst s8  }
0x11: {  	[smem:$0x3FA0] =	sst s9;
	s0 =	simm.s32 @!p0 $0x0  }
0x12: {  	s1 =	sld [smem:$0x3F86];
	s0 =	simm.s32 @p0 $0x1  }
0x13: {  	[smem:$0x3FA1] =	sst s0;
	s0 =	simm.s32 @!p1 $0x0  }
0x14: {  	s2 =	sld [smem:$0x3F85];
	s0 =	simm.s32 @p1 $0x1  }
0x15: {  	[smem:$0x3FA2] =	sst s0;
	s0 =	simm.s32 @!p2 $0x0  }
0x16: {  	s3 =	sld [smem:$0x3FDB];
	s0 =	simm.s32 @p2 $0x1  }
0x17: {  	s4 =	simm.s32 $0x1BF5;
	[smem:$0x3FA4] =	sst s0  }
0x18: {  	s0 =	sld [smem:$0x3F87];
	_ =	swait.ge [sflag:s4], $0x0  }
0x19: {  	s7 =	sld [smem:$0x3F88]  }
0x1a: {  	s8 =	sadd.s32 $0xFFFFE003, lr  }
0x1b: {  	s9 =	sadd.s32 $0xFFFFFEF7, lr;
	s5 =	simm.s32 $0xFFFFFFFF;
	p2 =	slt.u32 s8, $0xFFFFF086  }
0x1c: {  	p1 =	slt.u32 s9, $0xF7A;
	s5 =	simm.s32 @!p2 $0x0  }
0x1d: {  	s5 =	simm.s32 @p1 $0x1;
	p0 =	seq.s32 s7, s2  }
0x1e: {  	s7 =	smul.u32 @!p0 $0xF7A, s2;
	p2 =	seq.s32 @!p0 s5, $0x0  }
0x1f: {  	s9 =	smul.u32 $0xF7A, s1;
	s8 =	simm.s32 @!p0 $0x1BF5;
	p2 =	por !p2, p0  }
0x20: {  	[sflag:s8] =	ssyncset.s32 @!p0 $0xFFFFF086;
	s6 =	sadd.s32 @!p0 s3, s7;
	s7 =	simm.s32 @!p0 $0x108  }
0x21: {  	s3 =	sadd.s32 s3, s9;
	s6 =	sadd.s32 @!p0 $0x88, s6;
	s7 =	simm.s32 @p2 $0x1082  }
0x22: {  	[simem:s7], [sflag:s8] =	dma.local @!p0 [hbm:s6], $0xF7A  }
0x23: {  	s9 =	sor.u32 $0xD0000000, s2;
	s6 =	simm.s32 $0x108;
	_ =	swait.ge @!p0 [sflag:s8], $0x0  }
0x24: {  	s3 =	sadd.s32 $0x88, s3;
	s6 =	simm.s32 @!p1 $0x1082;
	[sflag:s4] =	ssyncset.s32 $0xFFFFF086  }
0x25: {  	[simem:s6], [sflag:s4] =	dma.local [hbm:s3], $0xF7A  }
0x26: {  	[smem:$0x3F88] =	sst s1;
	(tag) =	ssettag s2;
	_ =	strace s9  }
0x27: {  	s1 =	sld [smem:$0x3F98]  }
0x28: {  	s2 =	sld [smem:$0x3F99]  }
0x29: {  	s4 =	sld [smem:$0x3F9B]  }
0x2a: {  	p0 =	seq.s32 s5, $0x0;
	s5 =	sld [smem:$0x3F9C]  }
0x2b: {  	s6 =	sld [smem:$0x3F9D]  }
0x2c: {  	s7 =	sld [smem:$0x3F9E]  }
0x2d: {  	s3 =	simm.s32 $0x108;
	s8 =	sld [smem:$0x3F9F]  }
0x2e: {  	s3 =	simm.s32 @!p0 $0x1082;
	s9 =	sld [smem:$0x3FA0]  }
0x2f: {  	lr =	sadd.s32 s0, s3;
	s0 =	sld [smem:$0x3F97]  }
0x30: {  	s3 =	sld [smem:$0x3F9A]  }
0x31: {  	[smem:$0x3FA3] =	sst s10  }
0x32: {  	s10 =	sld [smem:$0x3FA1];
	_ =	sdelay $0x3  }
0x33: {  	p0 =	seq.s32 s10, $0x1;
	s10 =	sld [smem:$0x3FA3];
	_ =	sdelay $0x3  }
0x34: {  	[smem:$0x3FA3] =	sst s10  }
0x35: {  	s10 =	sld [smem:$0x3FA2];
	_ =	sdelay $0x3  }
0x36: {  	p1 =	seq.s32 s10, $0x1;
	s10 =	sld [smem:$0x3FA3];
	_ =	sdelay $0x3  }
0x37: {  	[smem:$0x3FA3] =	sst s10  }
0x38: {  	s10 =	sld [smem:$0x3FA4]  }
0x39: {  	_ = 	snop;
	(pc) =	sbr.ind lr, $3  }
0x3a: {  	_ = 	snop  }
0x3b: {  	_ = 	snop  }
0x3c: {  	p2 =	seq.s32 s10, $0x1;
	s10 =	sld [smem:$0x3FA3]  }
0x3d: {  	_ =	shalt  }
0x3e: {  	_ =	shalt  }
0x3f: {  	_ =	shalt  }
0x40: {  	_ =	shalt  }
0x41: {  	_ =	shalt  }
0x42: {  	_ =	shalt  }
0x43: {  	_ =	shalt  }
0x44: {  	_ =	shalt  }
0x45: {  	_ =	shalt  }
0x46: {  	_ =	shalt  }
0x47: {  	_ =	shalt  }
0x48: {  	_ =	shalt  }
0x49: {  	_ =	shalt  }
0x4a: {  	_ =	shalt  }
0x4b: {  	_ =	shalt  }
0x4c: {  	_ =	shalt  }
0x4d: {  	_ =	shalt  }
0x4e: {  	_ =	shalt  }
0x4f: {  	_ =	shalt  }
0x50: {  	_ =	shalt  }
0x51: {  	_ =	shalt  }
0x52: {  	_ =	shalt  }
0x53: {  	_ =	shalt  }
0x54: {  	_ =	shalt  }
0x55: {  	_ =	shalt  }
0x56: {  	_ =	shalt  }
0x57: {  	_ =	shalt  }
0x58: {  	_ =	shalt  }
0x59: {  	_ =	shalt  }
0x5a: {  	_ =	shalt  }
0x5b: {  	_ =	shalt  }
0x5c: {  	_ =	shalt  }
0x5d: {  	_ =	shalt  }
0x5e: {  	_ =	shalt  }
0x5f: {  	_ =	shalt  }
0x60: {  	_ =	shalt  }
0x61: {  	_ =	shalt  }
0x62: {  	_ =	shalt  }
0x63: {  	_ =	shalt  }
0x64: {  	_ =	shalt  }
0x65: {  	_ =	shalt  }
0x66: {  	_ =	shalt  }
0x67: {  	_ =	shalt  }
0x68: {  	_ =	shalt  }
0x69: {  	_ =	shalt  }
0x6a: {  	_ =	shalt  }
0x6b: {  	_ =	shalt  }
0x6c: {  	_ =	shalt  }
0x6d: {  	_ =	shalt  }
0x6e: {  	_ =	shalt  }
0x6f: {  	_ =	shalt  }
0x70: {  	_ =	shalt  }
0x71: {  	_ =	shalt  }
0x72: {  	_ =	shalt  }
0x73: {  	_ =	shalt  }
0x74: {  	_ =	shalt  }
0x75: {  	_ =	shalt  }
0x76: {  	_ =	shalt  }
0x77: {  	_ =	shalt  }
0x78: {  	_ =	shalt  }
0x79: {  	_ =	shalt  }
0x7a: {  	_ =	shalt  }
0x7b: {  	_ =	shalt  }
0x7c: {  	_ =	shalt  }
0x7d: {  	_ =	shalt  }
0x7e: {  	_ =	shalt  }
0x7f: {  	_ =	shalt  }
0x80: {  	_ =	shalt  }
0x81: {  	_ =	shalt  }
0x82: {  	_ =	shalt  }
0x83: {  	_ =	shalt  }
0x84: {  	_ =	shalt  }
0x85: {  	_ =	shalt  }
0x86: {  	_ =	shalt  }
0x87: {  	_ =	shalt  }
.Lfunc_end0:
.L_simem_size_0:
called_computation.1_lowered:
.L_overlay_start_0:
0x88: {  	s2 =	sld [smem:$0x3FD9]  }
0x89: {  	s3 =	sld [smem:$0x3FFE];
	_ =	sdelay $0x1  }
0x8a: {  	s1 =	srdreg.scid  }
0x8b: {  	s0 =	sand.u32 $0x1, s1  }
0x8c: {  	s16 =	sshll.u32 s0, $0xA;
	s2 =	sadd.s32 s3, s2  }
0x8d: {  	s2 =	sadd.s32 s2, s16  }
0x8e: {  	[smem:$0x3FAF] =	sst s2  }
0x8f: {  	_ = 	snop  }
0x90: {  	(tm) =	ssettm $0x1  }
0x91: {  	s17 =	sld [smem:$0x3FFB];
	_ =	sdelay $0x3  }
0x92: {  	_ =	strace s17  }
0x93: {  	s2 =	sld [smem:$0x3FFC];
	_ =	sdelay $0x3  }
0x94: {  	_ =	strace s2  }
0x95: {  	s2 =	sld [smem:$0x3FFD];
	_ =	sdelay $0x3  }
0x96: {  	_ =	strace s2  }
0x97: {  	_ =	strace $0x8FFFFFFF  }
0x98: {  	s18 =	sld [smem:$0x3FDB];
	_ =	sdelay $0x1  }
0x99: {  	s19 =	simm.s32 $_scs_section_size  }
0x9a: {  	s4 =	simm.s32 $_size__tile_overlayer_lowered;
	s5 =	simm.s32 $_tile_overlayer_lowered  }
0x9b: {  	s22 =	simm.s32 $0x1BFF;
	s21 =	sshll.u32 s5, $0x1;
	s2 =	sadd.s32 s19, s18  }
0x9c: {  	s6 =	simm.s32 $0x0;
	s20 =	sshll.u32 s4, $0x1;
	s4 =	sadd.s32 s21, s2  }
0x9d: {  	[timem:s6], [sflag:s22] =	dma.local [hbm:s4], s20  }
0x9e: {  	_ =	swait.ge [sflag:s22], s20  }
0x9f: {  	s3 =	ssub.s32 $0x0, s20;
	[sflag:s22] =	ssyncset.done $0x0  }
0xa0: {  	[sflag:s22] =	ssyncadd.s32 s3;
	_ =	sdelay $0x1  }
0xa1: {  	s23 =	simm.s32 $0x1B8B  }
0xa2: {  	_ =	swait.ge [sflag:s23], $0x1  }
0xa3: {  	[sflag:s23] =	ssyncset.done $0x0  }
0xa4: {  	s25 =	simm.s32 $0x1B8E;
	s24 =	sld [smem:$0x3FFE];
	[sflag:s23] =	ssyncadd.s32 $0xFFFFFFFF  }
0xa5: {  	s26 =	simm.s32 $execute0_lowered;
	[smem:$0x3FD2] =	sst s25  }
0xa6: {  	s4 =	sshll.u32 s26, $0x1;
	_ =	strace $0x80000049;
	[dreg:$0x1] =	wrdreg $0xFFFFFFFF  }
0xa7: {  	s28 =	simm.s32 $_size_execute0_lowered;
	s2 =	sadd.s32 s2, s4;
	[dreg:$0x0] =	wrdreg $0x0  }
0xa8: {  	s4 =	sshll.u32 s28, $0x1;
	[dreg:$0x2] =	wrdreg s2  }
0xa9: {  	[dreg:$0x3] =	wrdreg s4  }
0xaa: {  	[dreg:$0x4] =	wrdreg $0xC0  }
0xab: {  	_ =	task [dreg:s6], $0x5FFFF  }
0xac: {  	[dreg:$0x1] =	wrdreg $0xFFFFFFFF  }
0xad: {  	[dreg:$0x0] =	wrdreg $0x60  }
0xae: {  	[dreg:$0x2] =	wrdreg s24  }
0xaf: {  	[dreg:$0x3] =	wrdreg $0x90000  }
0xb0: {  	[dreg:$0x4] =	wrdreg $0x9  }
0xb1: {  	_ =	task.clear_ibuf [dreg:s6], $0x5FFFF;
	_ =	strace $0x90000049  }
0xb2: {  	s29 =	simm.s32 $0x9;
	_ =	strace $0x8000004B  }
0xb3: {  	_ =	swait.ge [sflag:s29], $0x1  }
0xb4: {  	[sflag:s29] =	ssyncadd.s32 $0xFFFFFFFF  }
0xb5: {  	_ =	strace $0x9000004B  }
0xb6: {  	_ =	sfence  }
0xb7: {  	s30 =	sld [smem:$0x0];
	_ =	sdelay $0x2  }
0xb8: {  	s31 =	sshll.u32 s1, $0xD;
	s1 =	sshrl.u32 s1, $0x2  }
0xb9: {  	s3 =	sand.u32 $0x4000, s31;
	s1 =	sadd.s32 s1, s30  }
0xba: {  	s0 =	sor.u32 s3, s0;
	s1 =	sshll.u32 s1, $0x11  }
0xbb: {  	s0 =	sor.u32 s1, s0  }
0xbc: {  	s0 =	sadd.s32 $0x8F2B, s0  }
0xbd: {  	[sflag:s0] =	ssyncadd.remote.s32 $0x1  }
0xbe: {  	_ =	sfence.sel $0xFFFF  }
0xbf: {  	[dreg:$0x0] =	wrdreg $0xFFFFFFFF;
	(pc) =	sbr.abs _section_cstart, $3  }
0xc0: {  	[dreg:$0x1] =	wrdreg $0xFFFFFFFF  }
0xc1: {  	_ =	task.clear_ibuf [dreg:s6], $0x2FFFF;
	_ =	strace $0x9FFFFFFF  }
0xc2: {  	(tm) =	ssettm $0x7FFFFFFF  }
0xc3: {  	_ =	shalt  }
tec
execute0_lowered:
.L_overlay_start_1:
0x0: {  	(tag) =	ssettag $0x1  }
0x1: {  	s6 =	rddreg [dreg:$0x0]  }
0x2: {  	s0 =	srdreg.scid;
	s2 =	rddreg [dreg:$0x1]  }
0x3: {  	s1 =	stileid.u32;
	s3 =	simm.s32 $0x0;
	s16 =	simm.s32 $0x7D  }
0x4: {  	s17 =	simm.s32 $0x5000;
	s18 =	simm.s32 $0x1;
	s19 =	simm.s32 $0x0  }
0x5: {  	s7 =	sand.u32 $0x1, s0;
	s0 =	rddreg [dreg:$0x2];
	s9 =	smul.u32 $0x4E000, s1  }
0x6: {  	[smem:$0x7FF] =	sst s3;
	s12 =	smul.u32 $0x13800, s1;
	s13 =	sadd.s32 $0x42E00, s6  }
0x7: {  	s15 =	sadd.s32 $0x124800, s2;
	p0 =	seq.s32 s1, $0xF;
	s4 =	sshll.u32 s7, $0x4  }
0x8: {  	_ =	strace $0x8000004A;
	s10 =	ssub.s32 $0x2, s7;
	s11 =	smul.u32 $0x138800, s7  }
0x9: {  	s4 =	sor.u32 s1, s4;
	s28 =	sshrl.u32 s10, $0x1;
	s9 =	sshrl.u32 s9, $0x2  }
0xa: {  	s5 =	smul.u32 $0x500, s4;
	s4 =	sadd.s32 $0x1BC00, s6;
	s10 =	ssub.s32 s10, s28  }
0xb: {  	s14 =	sadd.s32 s9, s2;
	s29 =	sadd.s32 s12, s11;
	s31 =	sshrl.u32 s11, $0x3  }
0xc: {  	s12 =	sshll.u32 @!p0 s1, $0x6;
	s11 =	sshrl.u32 @p0 s15, $0x3;
	s15 =	simm.s32 $0x2800  }
0xd: {  	s30 =	sshrl.u32 s29, $0x3;
	s9 =	sadd.s32 s13, s31;
	s10 =	smax.u32 s10, $0x1  }
0xe: {  	s12 =	sor.u32 @!p0 $0x1C02, s12;
	s8 =	sadd.s32 s5, s6;
	s5 =	sadd.s32 $0x19400, s6  }
0xf: {  	s9 =	sadd.s32 $0x24900, s9;
	s6 =	sadd.s32 $0x5400, s8;
	s7 =	sadd.s32 $0xF400, s8  }
0x10: {  	s8 =	sadd.s32 s13, s30;
	s13 =	sshrl.u32 @!p0 s14, $0x3;
	s14 =	simm.s32 $0x2  }
.LBB2_1:
0x11: {  	s20 =	simm.s32 @p0 $0x1FC2  }
0x12: {  	[spmem:s11], [sflag:s20] =	dma.local @p0 [hbm:s5], $0x2800  }
0x13: {  	s20 =	simm.s32 @p0 $0x2  }
0x14: {  	_ =	swait.ge @p0 [sflag:s20], $0x2800  }
0x15: {  	[sflag:s20] =	ssyncset.done @p0 $0x0  }
0x16: {  	[sflag:s20] =	ssyncadd.s32 @p0 $0xFFFFD800;
	s20 =	simm.s32 @!p0 $0x2  }
0x17: {  	[spmem:s13], [sflag:s12] =	dma.local @!p0 [hbm:s5], $0x2700  }
0x18: {  	_ =	swait.ge @!p0 [sflag:s20], $0x2700  }
0x19: {  	[sflag:s20] =	ssyncset.done @!p0 $0x0  }
0x1a: {  	[sflag:s20] =	ssyncadd.s32 @!p0 $0xFFFFD900  }
0x1b: {  	[tilespmem:s3], [sflag:$0x2] =	stream.linear.gather [hbm4b:s6+s3], $0x2800, $0x38;
	[tilespmem:$0x1C880] =	vst v63  }
0x1c: {  	_ =	swait.ge [sflag:s14], $0x2800  }
0x1d: {  	[sflag:s14] =	ssyncset.done $0x0  }
0x1e: {  	[sflag:s14] =	ssyncadd.s32 $0xFFFFD800  }
0x1f: {  	[tilespmem:s15], [sflag:$0x2] =	stream.linear.gather [hbm4b:s7+s3], $0x2800, $0x38;
	[tilespmem:$0x1C880] =	vst v63  }
0x20: {  	_ =	swait.ge [sflag:s14], $0x2800  }
0x21: {  	[sflag:s14] =	ssyncset.done $0x0  }
0x22: {  	[sflag:s14] =	ssyncadd.s32 $0xFFFFD800  }
0x23: {  	s30 =	simm.s32 $0x0;
	[bflag:$0x0] =	sbarrier.arrive $0xFFFF  }
0x24: {  	[tilespmem:s17], [sflag:$0x1] =	stream.indirect.gather [hbm4b:s4+s16], $0x80, s30, s16, $0xb8;
	[tilespmem:$0x1C880] =	vst v63  }
0x25: {  	_ =	swait.ge [sflag:s18], $0x3E80  }
0x26: {  	[sflag:s18] =	ssyncset.done $0x0  }
0x27: {  	s31 =	simm.s32 $0x2800;
	[sflag:s18] =	ssyncadd.s32 $0xFFFFC180  }
0x28: {  	[spmem:s2] =	stream.indirect.scatter.add.f32 [tilespmem:s17], [sflag:$0x2], $0x80, s31, s16, $0xb8;
	[tilespmem:$0x1C880] =	vst v63  }
0x29: {  	_ =	swait.ge [sflag:s14], $0x3E80  }
0x2a: {  	s21 =	simm.s32 $0x400;
	s20 =	simm.s32 $0x200;
	[sflag:s14] =	ssyncset.done $0x0  }
.LBB2_2:
0x2b: {  	s22 =	sshra.s32 s20, $0x2  }
0x2c: {  	[sflag:s14] =	ssyncadd.s32 $0xFFFFC180;
	s20 =	smov.u32 s21;
	s23 =	sadd.s32 $0x200, s21  }
0x2d: {  	[tilespmem:s17], [sflag:$0x1] =	stream.indirect.gather [hbm4b:s4+s16], $0x80, s22, s16, $0xb8;
	[tilespmem:$0x1C880] =	vst v63  }
0x2e: {  	p1 =	sne.s32 s21, $0x9E00;
	_ =	swait.ge [sflag:s18], $0x3E80  }
.Ltmp0:
0x2f: {  	[sflag:s18] =	ssyncset.done $0x0;
	(pc) =	sbr.rel @p1 .LBB2_2-.Ltmp0, $4  }
0x30: {  	s21 =	sadd.s32 $0x2800, s22;
	[sflag:s18] =	ssyncadd.s32 $0xFFFFC180  }
0x31: {  	[spmem:s2] =	stream.indirect.scatter.add.f32 [tilespmem:s17], [sflag:$0x2], $0x80, s21, s16, $0xb8;
	[tilespmem:$0x1C880] =	vst v63  }
0x32: {  	_ =	swait.ge [sflag:s14], $0x3E80  }
0x33: {  	s21 =	smov.u32 s23;
	[sflag:s14] =	ssyncset.done $0x0  }
0x34: {  	s20 =	sshra.s32 s20, $0x2;
	[sflag:s14] =	ssyncadd.s32 $0xFFFFC180  }
0x35: {  	[tilespmem:s17], [sflag:$0x1] =	stream.indirect.gather [hbm4b:s4+s16], $0x80, s20, s16, $0xb8;
	[tilespmem:$0x1C880] =	vst v63  }
0x36: {  	_ =	swait.ge [sflag:s18], $0x3E80  }
0x37: {  	[sflag:s18] =	ssyncset.done $0x0  }
0x38: {  	s20 =	sadd.s32 $0x2800, s20;
	[sflag:s18] =	ssyncadd.s32 $0xFFFFC180  }
0x39: {  	[spmem:s2] =	stream.indirect.scatter.add.f32 [tilespmem:s17], [sflag:$0x2], $0x80, s20, s16, $0xb8;
	[tilespmem:$0x1C880] =	vst v63  }
0x3a: {  	_ =	swait.ge [sflag:s14], $0x3E80  }
0x3b: {  	[sflag:s14] =	ssyncset.done $0x0  }
0x3c: {  	[sflag:s14] =	ssyncadd.s32 $0xFFFFC180  }
0x3d: {  	s20 =	simm.s32 @p0 $0x1FC2;
	[bflag:$0x0] =	sbarrier.arrive $0xFFFF  }
0x3e: {  	[hbm:s9], [sflag:s20] =	dma.local @p0 [spmem:s11], $0x2800  }
0x3f: {  	s20 =	simm.s32 @p0 $0x2  }
0x40: {  	s19 =	sadd.s32 $0x1, s19;
	_ =	swait.ge @p0 [sflag:s20], $0x2800  }
0x41: {  	p1 =	sne.s32 s19, s10;
	[sflag:s20] =	ssyncset.done @p0 $0x0  }
.Ltmp1:
0x42: {  	[sflag:s20] =	ssyncadd.s32 @p0 $0xFFFFD800;
	s20 =	simm.s32 @!p0 $0x2;
	(pc) =	sbr.rel @p1 .LBB2_1-.Ltmp1, $4  }
0x43: {  	[hbm:s8], [sflag:s12] =	dma.local @!p0 [spmem:s13], $0x2700  }
0x44: {  	_ =	swait.ge @!p0 [sflag:s20], $0x2700  }
0x45: {  	[sflag:s20] =	ssyncset.done @!p0 $0x0  }
0x46: {  	[sflag:s20] =	ssyncadd.s32 @!p0 $0xFFFFD900  }
0x47: {  	_ =	sfence.sel $0x180000  }
0x48: {  	[bflag:$0x0] =	sbarrier.arrive $0xFFFF  }
0x49: {  	p0 =	sne.s32 s1, $0x0;
	_ =	strace $0x9000004A  }
0x4a: {  	s0 =	sadd.s32 @!p0 $0x100000, s0;
	[bflag:$0x2] =	sbarrier.arrive $0xFFFF  }
0x4b: {  	[sflag:s0] =	ssyncadd.tile.s32 @!p0 $0x1;
	_ =	shalt  }
.Lfunc_end2:
_tile_overlayer_lowered:
.L_overlay_start_2:
0x4c: {  	(tag) =	ssettag $0x2  }
0x4d: {  	s0 =	rddreg [dreg:$0x0];
	s2 =	stileid.u32  }
0x4e: {  	s1 =	rddreg [dreg:$0x1];
	p0 =	sne.s32 s2, $0x0  }
0x4f: {  	s3 =	rddreg [dreg:$0x2];
	[bflag:$0x3] =	sbarrier.arrive $0xFFFF;
	s2 =	simm.s32 @!p0 $0x1C02  }
0x50: {  	[timem:s3], [sflag:s2] =	dma.local @!p0 [hbm:s0], s1  }
0x51: {  	s0 =	simm.s32 @!p0 $0x2  }
0x52: {  	_ =	swait.ge @!p0 [sflag:s0], s1  }
0x53: {  	s1 =	ssub.s32 @!p0 $0x0, s1;
	[sflag:s0] =	ssyncset.done @!p0 $0x0  }
0x54: {  	[sflag:s0] =	ssyncadd.s32 @!p0 s1  }
0x55: {  	[bflag:$0x3] =	sbarrier.arrive $0xFFFF  }
0x56: {  	_ =	shalt  }

// kernel: kernel.15.cloned.1.call-start
scs
__scs_entry_jumppad:
0x0: {  	(pc) =	sbr.rel $0x88, $3  }
0x1: {  	(tag) =	ssettag $0x0;
	lr =	simm.s32 $0x1  }
0x2: {  	[smem:$0x3F88] =	sst lr;
	_ =	strace $0xD0000000  }
0x3: {  	_ = 	snop  }
0x4: {  	_ = 	snop  }
0x5: {  	_ = 	snop  }
0x6: {  	_ = 	snop  }
0x7: {  	_ = 	snop  }
__scs_overlays_trampoline_lowered:
0x8: {  	[smem:$0x3F97] =	sst s0  }
0x9: {  	[smem:$0x3F98] =	sst s1  }
0xa: {  	[smem:$0x3F99] =	sst s2  }
0xb: {  	[smem:$0x3F9A] =	sst s3  }
0xc: {  	[smem:$0x3F9B] =	sst s4  }
0xd: {  	[smem:$0x3F9C] =	sst s5  }
0xe: {  	[smem:$0x3F9D] =	sst s6  }
0xf: {  	[smem:$0x3F9E] =	sst s7  }
0x10: {  	[smem:$0x3F9F] =	sst s8  }
0x11: {  	[smem:$0x3FA0] =	sst s9;
	s0 =	simm.s32 @!p0 $0x0  }
0x12: {  	s1 =	sld [smem:$0x3F86];
	s0 =	simm.s32 @p0 $0x1  }
0x13: {  	[smem:$0x3FA1] =	sst s0;
	s0 =	simm.s32 @!p1 $0x0  }
0x14: {  	s2 =	sld [smem:$0x3F85];
	s0 =	simm.s32 @p1 $0x1  }
0x15: {  	[smem:$0x3FA2] =	sst s0;
	s0 =	simm.s32 @!p2 $0x0  }
0x16: {  	s3 =	sld [smem:$0x3FDB];
	s0 =	simm.s32 @p2 $0x1  }
0x17: {  	s4 =	simm.s32 $0x1BF5;
	[smem:$0x3FA4] =	sst s0  }
0x18: {  	s0 =	sld [smem:$0x3F87];
	_ =	swait.ge [sflag:s4], $0x0  }
0x19: {  	s7 =	sld [smem:$0x3F88]  }
0x1a: {  	s8 =	sadd.s32 $0xFFFFE003, lr  }
0x1b: {  	s9 =	sadd.s32 $0xFFFFFEF7, lr;
	s5 =	simm.s32 $0xFFFFFFFF;
	p2 =	slt.u32 s8, $0xFFFFF086  }
0x1c: {  	p1 =	slt.u32 s9, $0xF7A;
	s5 =	simm.s32 @!p2 $0x0  }
0x1d: {  	s5 =	simm.s32 @p1 $0x1;
	p0 =	seq.s32 s7, s2  }
0x1e: {  	s7 =	smul.u32 @!p0 $0xF7A, s2;
	p2 =	seq.s32 @!p0 s5, $0x0  }
0x1f: {  	s9 =	smul.u32 $0xF7A, s1;
	s8 =	simm.s32 @!p0 $0x1BF5;
	p2 =	por !p2, p0  }
0x20: {  	[sflag:s8] =	ssyncset.s32 @!p0 $0xFFFFF086;
	s6 =	sadd.s32 @!p0 s3, s7;
	s7 =	simm.s32 @!p0 $0x108  }
0x21: {  	s3 =	sadd.s32 s3, s9;
	s6 =	sadd.s32 @!p0 $0x88, s6;
	s7 =	simm.s32 @p2 $0x1082  }
0x22: {  	[simem:s7], [sflag:s8] =	dma.local @!p0 [hbm:s6], $0xF7A  }
0x23: {  	s9 =	sor.u32 $0xD0000000, s2;
	s6 =	simm.s32 $0x108;
	_ =	swait.ge @!p0 [sflag:s8], $0x0  }
0x24: {  	s3 =	sadd.s32 $0x88, s3;
	s6 =	simm.s32 @!p1 $0x1082;
	[sflag:s4] =	ssyncset.s32 $0xFFFFF086  }
0x25: {  	[simem:s6], [sflag:s4] =	dma.local [hbm:s3], $0xF7A  }
0x26: {  	[smem:$0x3F88] =	sst s1;
	(tag) =	ssettag s2;
	_ =	strace s9  }
0x27: {  	s1 =	sld [smem:$0x3F98]  }
0x28: {  	s2 =	sld [smem:$0x3F99]  }
0x29: {  	s4 =	sld [smem:$0x3F9B]  }
0x2a: {  	p0 =	seq.s32 s5, $0x0;
	s5 =	sld [smem:$0x3F9C]  }
0x2b: {  	s6 =	sld [smem:$0x3F9D]  }
0x2c: {  	s7 =	sld [smem:$0x3F9E]  }
0x2d: {  	s3 =	simm.s32 $0x108;
	s8 =	sld [smem:$0x3F9F]  }
0x2e: {  	s3 =	simm.s32 @!p0 $0x1082;
	s9 =	sld [smem:$0x3FA0]  }
0x2f: {  	lr =	sadd.s32 s0, s3;
	s0 =	sld [smem:$0x3F97]  }
0x30: {  	s3 =	sld [smem:$0x3F9A]  }
0x31: {  	[smem:$0x3FA3] =	sst s10  }
0x32: {  	s10 =	sld [smem:$0x3FA1];
	_ =	sdelay $0x3  }
0x33: {  	p0 =	seq.s32 s10, $0x1;
	s10 =	sld [smem:$0x3FA3];
	_ =	sdelay $0x3  }
0x34: {  	[smem:$0x3FA3] =	sst s10  }
0x35: {  	s10 =	sld [smem:$0x3FA2];
	_ =	sdelay $0x3  }
0x36: {  	p1 =	seq.s32 s10, $0x1;
	s10 =	sld [smem:$0x3FA3];
	_ =	sdelay $0x3  }
0x37: {  	[smem:$0x3FA3] =	sst s10  }
0x38: {  	s10 =	sld [smem:$0x3FA4]  }
0x39: {  	_ = 	snop;
	(pc) =	sbr.ind lr, $3  }
0x3a: {  	_ = 	snop  }
0x3b: {  	_ = 	snop  }
0x3c: {  	p2 =	seq.s32 s10, $0x1;
	s10 =	sld [smem:$0x3FA3]  }
0x3d: {  	_ =	shalt  }
0x3e: {  	_ =	shalt  }
0x3f: {  	_ =	shalt  }
0x40: {  	_ =	shalt  }
0x41: {  	_ =	shalt  }
0x42: {  	_ =	shalt  }
0x43: {  	_ =	shalt  }
0x44: {  	_ =	shalt  }
0x45: {  	_ =	shalt  }
0x46: {  	_ =	shalt  }
0x47: {  	_ =	shalt  }
0x48: {  	_ =	shalt  }
0x49: {  	_ =	shalt  }
0x4a: {  	_ =	shalt  }
0x4b: {  	_ =	shalt  }
0x4c: {  	_ =	shalt  }
0x4d: {  	_ =	shalt  }
0x4e: {  	_ =	shalt  }
0x4f: {  	_ =	shalt  }
0x50: {  	_ =	shalt  }
0x51: {  	_ =	shalt  }
0x52: {  	_ =	shalt  }
0x53: {  	_ =	shalt  }
0x54: {  	_ =	shalt  }
0x55: {  	_ =	shalt  }
0x56: {  	_ =	shalt  }
0x57: {  	_ =	shalt  }
0x58: {  	_ =	shalt  }
0x59: {  	_ =	shalt  }
0x5a: {  	_ =	shalt  }
0x5b: {  	_ =	shalt  }
0x5c: {  	_ =	shalt  }
0x5d: {  	_ =	shalt  }
0x5e: {  	_ =	shalt  }
0x5f: {  	_ =	shalt  }
0x60: {  	_ =	shalt  }
0x61: {  	_ =	shalt  }
0x62: {  	_ =	shalt  }
0x63: {  	_ =	shalt  }
0x64: {  	_ =	shalt  }
0x65: {  	_ =	shalt  }
0x66: {  	_ =	shalt  }
0x67: {  	_ =	shalt  }
0x68: {  	_ =	shalt  }
0x69: {  	_ =	shalt  }
0x6a: {  	_ =	shalt  }
0x6b: {  	_ =	shalt  }
0x6c: {  	_ =	shalt  }
0x6d: {  	_ =	shalt  }
0x6e: {  	_ =	shalt  }
0x6f: {  	_ =	shalt  }
0x70: {  	_ =	shalt  }
0x71: {  	_ =	shalt  }
0x72: {  	_ =	shalt  }
0x73: {  	_ =	shalt  }
0x74: {  	_ =	shalt  }
0x75: {  	_ =	shalt  }
0x76: {  	_ =	shalt  }
0x77: {  	_ =	shalt  }
0x78: {  	_ =	shalt  }
0x79: {  	_ =	shalt  }
0x7a: {  	_ =	shalt  }
0x7b: {  	_ =	shalt  }
0x7c: {  	_ =	shalt  }
0x7d: {  	_ =	shalt  }
0x7e: {  	_ =	shalt  }
0x7f: {  	_ =	shalt  }
0x80: {  	_ =	shalt  }
0x81: {  	_ =	shalt  }
0x82: {  	_ =	shalt  }
0x83: {  	_ =	shalt  }
0x84: {  	_ =	shalt  }
0x85: {  	_ =	shalt  }
0x86: {  	_ =	shalt  }
0x87: {  	_ =	shalt  }
.Lfunc_end0:
.L_simem_size_0:
called_computation.2_lowered:
.L_overlay_start_0:
0x88: {  	s2 =	sld [smem:$0x3FD9]  }
0x89: {  	s3 =	sld [smem:$0x3FFE];
	_ =	sdelay $0x1  }
0x8a: {  	s1 =	srdreg.scid  }
0x8b: {  	s0 =	sand.u32 $0x1, s1  }
0x8c: {  	s16 =	sshll.u32 s0, $0xA;
	s2 =	sadd.s32 s3, s2  }
0x8d: {  	s2 =	sadd.s32 s2, s16  }
0x8e: {  	[smem:$0x3FAF] =	sst s2  }
0x8f: {  	_ = 	snop  }
0x90: {  	(tm) =	ssettm $0x1  }
0x91: {  	s17 =	sld [smem:$0x3FFB];
	_ =	sdelay $0x3  }
0x92: {  	_ =	strace s17  }
0x93: {  	s2 =	sld [smem:$0x3FFC];
	_ =	sdelay $0x3  }
0x94: {  	_ =	strace s2  }
0x95: {  	s2 =	sld [smem:$0x3FFD];
	_ =	sdelay $0x3  }
0x96: {  	_ =	strace s2  }
0x97: {  	_ =	strace $0x8FFFFFFF  }
0x98: {  	s18 =	sld [smem:$0x3FDB];
	_ =	sdelay $0x1  }
0x99: {  	s19 =	simm.s32 $_scs_section_size  }
0x9a: {  	s4 =	simm.s32 $_size__tile_overlayer_lowered;
	s5 =	simm.s32 $_tile_overlayer_lowered  }
0x9b: {  	s22 =	simm.s32 $0x1BFF;
	s21 =	sshll.u32 s5, $0x1;
	s2 =	sadd.s32 s19, s18  }
0x9c: {  	s6 =	simm.s32 $0x0;
	s20 =	sshll.u32 s4, $0x1;
	s4 =	sadd.s32 s21, s2  }
0x9d: {  	[timem:s6], [sflag:s22] =	dma.local [hbm:s4], s20  }
0x9e: {  	_ =	swait.ge [sflag:s22], s20  }
0x9f: {  	s3 =	ssub.s32 $0x0, s20;
	[sflag:s22] =	ssyncset.done $0x0  }
0xa0: {  	[sflag:s22] =	ssyncadd.s32 s3;
	_ =	sdelay $0x1  }
0xa1: {  	s23 =	simm.s32 $0x1B8B  }
0xa2: {  	_ =	swait.ge [sflag:s23], $0x1  }
0xa3: {  	[sflag:s23] =	ssyncset.done $0x0  }
0xa4: {  	s25 =	simm.s32 $0x1B8E;
	s24 =	sld [smem:$0x3FFE];
	[sflag:s23] =	ssyncadd.s32 $0xFFFFFFFF  }
0xa5: {  	s26 =	simm.s32 $execute0_lowered;
	[smem:$0x3FD2] =	sst s25  }
0xa6: {  	s4 =	sshll.u32 s26, $0x1;
	_ =	strace $0x8000004C;
	[dreg:$0x1] =	wrdreg $0xFFFFFFFF  }
0xa7: {  	s28 =	simm.s32 $_size_execute0_lowered;
	s2 =	sadd.s32 s2, s4;
	[dreg:$0x0] =	wrdreg $0x0  }
0xa8: {  	s4 =	sshll.u32 s28, $0x1;
	[dreg:$0x2] =	wrdreg s2  }
0xa9: {  	[dreg:$0x3] =	wrdreg s4  }
0xaa: {  	[dreg:$0x4] =	wrdreg $0xC0  }
0xab: {  	_ =	task [dreg:s6], $0x5FFFF  }
0xac: {  	[dreg:$0x1] =	wrdreg $0xFFFFFFFF  }
0xad: {  	[dreg:$0x0] =	wrdreg $0x60  }
0xae: {  	[dreg:$0x2] =	wrdreg s24  }
0xaf: {  	[dreg:$0x3] =	wrdreg $0x90000  }
0xb0: {  	[dreg:$0x4] =	wrdreg $0x9  }
0xb1: {  	_ =	task.clear_ibuf [dreg:s6], $0x5FFFF;
	_ =	strace $0x9000004C  }
0xb2: {  	s29 =	simm.s32 $0x9;
	_ =	strace $0x8000004E  }
0xb3: {  	_ =	swait.ge [sflag:s29], $0x1  }
0xb4: {  	[sflag:s29] =	ssyncadd.s32 $0xFFFFFFFF  }
0xb5: {  	_ =	strace $0x9000004E  }
0xb6: {  	_ =	sfence  }
0xb7: {  	s30 =	sld [smem:$0x0];
	_ =	sdelay $0x2  }
0xb8: {  	s31 =	sshll.u32 s1, $0xD;
	s1 =	sshrl.u32 s1, $0x2  }
0xb9: {  	s3 =	sand.u32 $0x4000, s31;
	s1 =	sadd.s32 s1, s30  }
0xba: {  	s0 =	sor.u32 s3, s0;
	s1 =	sshll.u32 s1, $0x11  }
0xbb: {  	s0 =	sor.u32 s1, s0  }
0xbc: {  	s0 =	sadd.s32 $0x8F2B, s0  }
0xbd: {  	[sflag:s0] =	ssyncadd.remote.s32 $0x1  }
0xbe: {  	_ =	sfence.sel $0xFFFF  }
0xbf: {  	[dreg:$0x0] =	wrdreg $0xFFFFFFFF;
	(pc) =	sbr.abs _section_cstart, $3  }
0xc0: {  	[dreg:$0x1] =	wrdreg $0xFFFFFFFF  }
0xc1: {  	_ =	task.clear_ibuf [dreg:s6], $0x2FFFF;
	_ =	strace $0x9FFFFFFF  }
0xc2: {  	(tm) =	ssettm $0x7FFFFFFF  }
0xc3: {  	_ =	shalt  }
tec
execute0_lowered:
.L_overlay_start_1:
0x0: {  	(tag) =	ssettag $0x1  }
0x1: {  	s6 =	rddreg [dreg:$0x0]  }
0x2: {  	s0 =	srdreg.scid;
	s2 =	rddreg [dreg:$0x1]  }
0x3: {  	s1 =	stileid.u32;
	s3 =	simm.s32 $0x0;
	s16 =	simm.s32 $0x7D  }
0x4: {  	s17 =	simm.s32 $0x5000;
	s18 =	simm.s32 $0x1;
	s19 =	simm.s32 $0x0  }
0x5: {  	s7 =	sand.u32 $0x1, s0;
	s0 =	rddreg [dreg:$0x2];
	s9 =	smul.u32 $0x4E000, s1  }
0x6: {  	[smem:$0x7FF] =	sst s3;
	s12 =	smul.u32 $0x13800, s1;
	s13 =	sadd.s32 $0x42E00, s6  }
0x7: {  	s15 =	sadd.s32 $0x124800, s2;
	p0 =	seq.s32 s1, $0xF;
	s4 =	sshll.u32 s7, $0x4  }
0x8: {  	_ =	strace $0x8000004D;
	s10 =	ssub.s32 $0x2, s7;
	s11 =	smul.u32 $0x138800, s7  }
0x9: {  	s4 =	sor.u32 s1, s4;
	s28 =	sshrl.u32 s10, $0x1;
	s9 =	sshrl.u32 s9, $0x2  }
0xa: {  	s5 =	smul.u32 $0x500, s4;
	s4 =	sadd.s32 $0x1BC00, s6;
	s10 =	ssub.s32 s10, s28  }
0xb: {  	s14 =	sadd.s32 s9, s2;
	s29 =	sadd.s32 s12, s11;
	s31 =	sshrl.u32 s11, $0x3  }
0xc: {  	s12 =	sshll.u32 @!p0 s1, $0x6;
	s11 =	sshrl.u32 @p0 s15, $0x3;
	s15 =	simm.s32 $0x2800  }
0xd: {  	s30 =	sshrl.u32 s29, $0x3;
	s9 =	sadd.s32 s13, s31;
	s10 =	smax.u32 s10, $0x1  }
0xe: {  	s12 =	sor.u32 @!p0 $0x1C02, s12;
	s8 =	sadd.s32 s5, s6;
	s5 =	sadd.s32 $0x19400, s6  }
0xf: {  	s9 =	sadd.s32 $0x24900, s9;
	s6 =	sadd.s32 $0x5400, s8;
	s7 =	sadd.s32 $0xF400, s8  }
0x10: {  	s8 =	sadd.s32 s13, s30;
	s13 =	sshrl.u32 @!p0 s14, $0x3;
	s14 =	simm.s32 $0x2  }
.LBB2_1:
0x11: {  	s20 =	simm.s32 @p0 $0x1FC2  }
0x12: {  	[spmem:s11], [sflag:s20] =	dma.local @p0 [hbm:s5], $0x2800  }
0x13: {  	s20 =	simm.s32 @p0 $0x2  }
0x14: {  	_ =	swait.ge @p0 [sflag:s20], $0x2800  }
0x15: {  	[sflag:s20] =	ssyncset.done @p0 $0x0  }
0x16: {  	[sflag:s20] =	ssyncadd.s32 @p0 $0xFFFFD800;
	s20 =	simm.s32 @!p0 $0x2  }
0x17: {  	[spmem:s13], [sflag:s12] =	dma.local @!p0 [hbm:s5], $0x2700  }
0x18: {  	_ =	swait.ge @!p0 [sflag:s20], $0x2700  }
0x19: {  	[sflag:s20] =	ssyncset.done @!p0 $0x0  }
0x1a: {  	[sflag:s20] =	ssyncadd.s32 @!p0 $0xFFFFD900  }
0x1b: {  	[tilespmem:s3], [sflag:$0x2] =	stream.linear.gather [hbm4b:s6+s3], $0x2800, $0x38;
	[tilespmem:$0x1C880] =	vst v63  }
0x1c: {  	_ =	swait.ge [sflag:s14], $0x2800  }
0x1d: {  	[sflag:s14] =	ssyncset.done $0x0  }
0x1e: {  	[sflag:s14] =	ssyncadd.s32 $0xFFFFD800  }
0x1f: {  	[tilespmem:s15], [sflag:$0x2] =	stream.linear.gather [hbm4b:s7+s3], $0x2800, $0x38;
	[tilespmem:$0x1C880] =	vst v63  }
0x20: {  	_ =	swait.ge [sflag:s14], $0x2800  }
0x21: {  	[sflag:s14] =	ssyncset.done $0x0  }
0x22: {  	[sflag:s14] =	ssyncadd.s32 $0xFFFFD800  }
0x23: {  	s30 =	simm.s32 $0x0;
	[bflag:$0x0] =	sbarrier.arrive $0xFFFF  }
0x24: {  	[tilespmem:s17], [sflag:$0x1] =	stream.indirect.gather [hbm4b:s4+s16], $0x80, s30, s16, $0xb8;
	[tilespmem:$0x1C880] =	vst v63  }
0x25: {  	_ =	swait.ge [sflag:s18], $0x3E80  }
0x26: {  	[sflag:s18] =	ssyncset.done $0x0  }
0x27: {  	s31 =	simm.s32 $0x2800;
	[sflag:s18] =	ssyncadd.s32 $0xFFFFC180  }
0x28: {  	[spmem:s2] =	stream.indirect.scatter.add.f32 [tilespmem:s17], [sflag:$0x2], $0x80, s31, s16, $0xb8;
	[tilespmem:$0x1C880] =	vst v63  }
0x29: {  	_ =	swait.ge [sflag:s14], $0x3E80  }
0x2a: {  	s21 =	simm.s32 $0x400;
	s20 =	simm.s32 $0x200;
	[sflag:s14] =	ssyncset.done $0x0  }
.LBB2_2:
0x2b: {  	s22 =	sshra.s32 s20, $0x2  }
0x2c: {  	[sflag:s14] =	ssyncadd.s32 $0xFFFFC180;
	s20 =	smov.u32 s21;
	s23 =	sadd.s32 $0x200, s21  }
0x2d: {  	[tilespmem:s17], [sflag:$0x1] =	stream.indirect.gather [hbm4b:s4+s16], $0x80, s22, s16, $0xb8;
	[tilespmem:$0x1C880] =	vst v63  }
0x2e: {  	p1 =	sne.s32 s21, $0x9E00;
	_ =	swait.ge [sflag:s18], $0x3E80  }
.Ltmp0:
0x2f: {  	[sflag:s18] =	ssyncset.done $0x0;
	(pc) =	sbr.rel @p1 .LBB2_2-.Ltmp0, $4  }
0x30: {  	s21 =	sadd.s32 $0x2800, s22;
	[sflag:s18] =	ssyncadd.s32 $0xFFFFC180  }
0x31: {  	[spmem:s2] =	stream.indirect.scatter.add.f32 [tilespmem:s17], [sflag:$0x2], $0x80, s21, s16, $0xb8;
	[tilespmem:$0x1C880] =	vst v63  }
0x32: {  	_ =	swait.ge [sflag:s14], $0x3E80  }
0x33: {  	s21 =	smov.u32 s23;
	[sflag:s14] =	ssyncset.done $0x0  }
0x34: {  	s20 =	sshra.s32 s20, $0x2;
	[sflag:s14] =	ssyncadd.s32 $0xFFFFC180  }
0x35: {  	[tilespmem:s17], [sflag:$0x1] =	stream.indirect.gather [hbm4b:s4+s16], $0x80, s20, s16, $0xb8;
	[tilespmem:$0x1C880] =	vst v63  }
0x36: {  	_ =	swait.ge [sflag:s18], $0x3E80  }
0x37: {  	[sflag:s18] =	ssyncset.done $0x0  }
0x38: {  	s20 =	sadd.s32 $0x2800, s20;
	[sflag:s18] =	ssyncadd.s32 $0xFFFFC180  }
0x39: {  	[spmem:s2] =	stream.indirect.scatter.add.f32 [tilespmem:s17], [sflag:$0x2], $0x80, s20, s16, $0xb8;
	[tilespmem:$0x1C880] =	vst v63  }
0x3a: {  	_ =	swait.ge [sflag:s14], $0x3E80  }
0x3b: {  	[sflag:s14] =	ssyncset.done $0x0  }
0x3c: {  	[sflag:s14] =	ssyncadd.s32 $0xFFFFC180  }
0x3d: {  	s20 =	simm.s32 @p0 $0x1FC2;
	[bflag:$0x0] =	sbarrier.arrive $0xFFFF  }
0x3e: {  	[hbm:s9], [sflag:s20] =	dma.local @p0 [spmem:s11], $0x2800  }
0x3f: {  	s20 =	simm.s32 @p0 $0x2  }
0x40: {  	s19 =	sadd.s32 $0x1, s19;
	_ =	swait.ge @p0 [sflag:s20], $0x2800  }
0x41: {  	p1 =	sne.s32 s19, s10;
	[sflag:s20] =	ssyncset.done @p0 $0x0  }
.Ltmp1:
0x42: {  	[sflag:s20] =	ssyncadd.s32 @p0 $0xFFFFD800;
	s20 =	simm.s32 @!p0 $0x2;
	(pc) =	sbr.rel @p1 .LBB2_1-.Ltmp1, $4  }
0x43: {  	[hbm:s8], [sflag:s12] =	dma.local @!p0 [spmem:s13], $0x2700  }
0x44: {  	_ =	swait.ge @!p0 [sflag:s20], $0x2700  }
0x45: {  	[sflag:s20] =	ssyncset.done @!p0 $0x0  }
0x46: {  	[sflag:s20] =	ssyncadd.s32 @!p0 $0xFFFFD900  }
0x47: {  	_ =	sfence.sel $0x180000  }
0x48: {  	[bflag:$0x0] =	sbarrier.arrive $0xFFFF  }
0x49: {  	p0 =	sne.s32 s1, $0x0;
	_ =	strace $0x9000004D  }
0x4a: {  	s0 =	sadd.s32 @!p0 $0x100000, s0;
	[bflag:$0x2] =	sbarrier.arrive $0xFFFF  }
0x4b: {  	[sflag:s0] =	ssyncadd.tile.s32 @!p0 $0x1;
	_ =	shalt  }
.Lfunc_end2:
_tile_overlayer_lowered:
.L_overlay_start_2:
0x4c: {  	(tag) =	ssettag $0x2  }
0x4d: {  	s0 =	rddreg [dreg:$0x0];
	s2 =	stileid.u32  }
0x4e: {  	s1 =	rddreg [dreg:$0x1];
	p0 =	sne.s32 s2, $0x0  }
0x4f: {  	s3 =	rddreg [dreg:$0x2];
	[bflag:$0x3] =	sbarrier.arrive $0xFFFF;
	s2 =	simm.s32 @!p0 $0x1C02  }
0x50: {  	[timem:s3], [sflag:s2] =	dma.local @!p0 [hbm:s0], s1  }
0x51: {  	s0 =	simm.s32 @!p0 $0x2  }
0x52: {  	_ =	swait.ge @!p0 [sflag:s0], s1  }
0x53: {  	s1 =	ssub.s32 @!p0 $0x0, s1;
	[sflag:s0] =	ssyncset.done @!p0 $0x0  }
0x54: {  	[sflag:s0] =	ssyncadd.s32 @!p0 s1  }
0x55: {  	[bflag:$0x3] =	sbarrier.arrive $0xFFFF  }
0x56: {  	_ =	shalt  }

// kernel: kernel.9.cloned.1.call-start
scs
__scs_entry_jumppad:
0x0: {  	(pc) =	sbr.rel $0x88, $3  }
0x1: {  	(tag) =	ssettag $0x0;
	lr =	simm.s32 $0x1  }
0x2: {  	[smem:$0x3F88] =	sst lr;
	_ =	strace $0xD0000000  }
0x3: {  	_ = 	snop  }
0x4: {  	_ = 	snop  }
0x5: {  	_ = 	snop  }
0x6: {  	_ = 	snop  }
0x7: {  	_ = 	snop  }
__scs_overlays_trampoline_lowered:
0x8: {  	[smem:$0x3F97] =	sst s0  }
0x9: {  	[smem:$0x3F98] =	sst s1  }
0xa: {  	[smem:$0x3F99] =	sst s2  }
0xb: {  	[smem:$0x3F9A] =	sst s3  }
0xc: {  	[smem:$0x3F9B] =	sst s4  }
0xd: {  	[smem:$0x3F9C] =	sst s5  }
0xe: {  	[smem:$0x3F9D] =	sst s6  }
0xf: {  	[smem:$0x3F9E] =	sst s7  }
0x10: {  	[smem:$0x3F9F] =	sst s8  }
0x11: {  	[smem:$0x3FA0] =	sst s9;
	s0 =	simm.s32 @!p0 $0x0  }
0x12: {  	s1 =	sld [smem:$0x3F86];
	s0 =	simm.s32 @p0 $0x1  }
0x13: {  	[smem:$0x3FA1] =	sst s0;
	s0 =	simm.s32 @!p1 $0x0  }
0x14: {  	s2 =	sld [smem:$0x3F85];
	s0 =	simm.s32 @p1 $0x1  }
0x15: {  	[smem:$0x3FA2] =	sst s0;
	s0 =	simm.s32 @!p2 $0x0  }
0x16: {  	s3 =	sld [smem:$0x3FDB];
	s0 =	simm.s32 @p2 $0x1  }
0x17: {  	s4 =	simm.s32 $0x1BF5;
	[smem:$0x3FA4] =	sst s0  }
0x18: {  	s0 =	sld [smem:$0x3F87];
	_ =	swait.ge [sflag:s4], $0x0  }
0x19: {  	s7 =	sld [smem:$0x3F88]  }
0x1a: {  	s8 =	sadd.s32 $0xFFFFE003, lr  }
0x1b: {  	s9 =	sadd.s32 $0xFFFFFEF7, lr;
	s5 =	simm.s32 $0xFFFFFFFF;
	p2 =	slt.u32 s8, $0xFFFFF086  }
0x1c: {  	p1 =	slt.u32 s9, $0xF7A;
	s5 =	simm.s32 @!p2 $0x0  }
0x1d: {  	s5 =	simm.s32 @p1 $0x1;
	p0 =	seq.s32 s7, s2  }
0x1e: {  	s7 =	smul.u32 @!p0 $0xF7A, s2;
	p2 =	seq.s32 @!p0 s5, $0x0  }
0x1f: {  	s9 =	smul.u32 $0xF7A, s1;
	s8 =	simm.s32 @!p0 $0x1BF5;
	p2 =	por !p2, p0  }
0x20: {  	[sflag:s8] =	ssyncset.s32 @!p0 $0xFFFFF086;
	s6 =	sadd.s32 @!p0 s3, s7;
	s7 =	simm.s32 @!p0 $0x108  }
0x21: {  	s3 =	sadd.s32 s3, s9;
	s6 =	sadd.s32 @!p0 $0x88, s6;
	s7 =	simm.s32 @p2 $0x1082  }
0x22: {  	[simem:s7], [sflag:s8] =	dma.local @!p0 [hbm:s6], $0xF7A  }
0x23: {  	s9 =	sor.u32 $0xD0000000, s2;
	s6 =	simm.s32 $0x108;
	_ =	swait.ge @!p0 [sflag:s8], $0x0  }
0x24: {  	s3 =	sadd.s32 $0x88, s3;
	s6 =	simm.s32 @!p1 $0x1082;
	[sflag:s4] =	ssyncset.s32 $0xFFFFF086  }
0x25: {  	[simem:s6], [sflag:s4] =	dma.local [hbm:s3], $0xF7A  }
0x26: {  	[smem:$0x3F88] =	sst s1;
	(tag) =	ssettag s2;
	_ =	strace s9  }
0x27: {  	s1 =	sld [smem:$0x3F98]  }
0x28: {  	s2 =	sld [smem:$0x3F99]  }
0x29: {  	s4 =	sld [smem:$0x3F9B]  }
0x2a: {  	p0 =	seq.s32 s5, $0x0;
	s5 =	sld [smem:$0x3F9C]  }
0x2b: {  	s6 =	sld [smem:$0x3F9D]  }
0x2c: {  	s7 =	sld [smem:$0x3F9E]  }
0x2d: {  	s3 =	simm.s32 $0x108;
	s8 =	sld [smem:$0x3F9F]  }
0x2e: {  	s3 =	simm.s32 @!p0 $0x1082;
	s9 =	sld [smem:$0x3FA0]  }
0x2f: {  	lr =	sadd.s32 s0, s3;
	s0 =	sld [smem:$0x3F97]  }
0x30: {  	s3 =	sld [smem:$0x3F9A]  }
0x31: {  	[smem:$0x3FA3] =	sst s10  }
0x32: {  	s10 =	sld [smem:$0x3FA1];
	_ =	sdelay $0x3  }
0x33: {  	p0 =	seq.s32 s10, $0x1;
	s10 =	sld [smem:$0x3FA3];
	_ =	sdelay $0x3  }
0x34: {  	[smem:$0x3FA3] =	sst s10  }
0x35: {  	s10 =	sld [smem:$0x3FA2];
	_ =	sdelay $0x3  }
0x36: {  	p1 =	seq.s32 s10, $0x1;
	s10 =	sld [smem:$0x3FA3];
	_ =	sdelay $0x3  }
0x37: {  	[smem:$0x3FA3] =	sst s10  }
0x38: {  	s10 =	sld [smem:$0x3FA4]  }
0x39: {  	_ = 	snop;
	(pc) =	sbr.ind lr, $3  }
0x3a: {  	_ = 	snop  }
0x3b: {  	_ = 	snop  }
0x3c: {  	p2 =	seq.s32 s10, $0x1;
	s10 =	sld [smem:$0x3FA3]  }
0x3d: {  	_ =	shalt  }
0x3e: {  	_ =	shalt  }
0x3f: {  	_ =	shalt  }
0x40: {  	_ =	shalt  }
0x41: {  	_ =	shalt  }
0x42: {  	_ =	shalt  }
0x43: {  	_ =	shalt  }
0x44: {  	_ =	shalt  }
0x45: {  	_ =	shalt  }
0x46: {  	_ =	shalt  }
0x47: {  	_ =	shalt  }
0x48: {  	_ =	shalt  }
0x49: {  	_ =	shalt  }
0x4a: {  	_ =	shalt  }
0x4b: {  	_ =	shalt  }
0x4c: {  	_ =	shalt  }
0x4d: {  	_ =	shalt  }
0x4e: {  	_ =	shalt  }
0x4f: {  	_ =	shalt  }
0x50: {  	_ =	shalt  }
0x51: {  	_ =	shalt  }
0x52: {  	_ =	shalt  }
0x53: {  	_ =	shalt  }
0x54: {  	_ =	shalt  }
0x55: {  	_ =	shalt  }
0x56: {  	_ =	shalt  }
0x57: {  	_ =	shalt  }
0x58: {  	_ =	shalt  }
0x59: {  	_ =	shalt  }
0x5a: {  	_ =	shalt  }
0x5b: {  	_ =	shalt  }
0x5c: {  	_ =	shalt  }
0x5d: {  	_ =	shalt  }
0x5e: {  	_ =	shalt  }
0x5f: {  	_ =	shalt  }
0x60: {  	_ =	shalt  }
0x61: {  	_ =	shalt  }
0x62: {  	_ =	shalt  }
0x63: {  	_ =	shalt  }
0x64: {  	_ =	shalt  }
0x65: {  	_ =	shalt  }
0x66: {  	_ =	shalt  }
0x67: {  	_ =	shalt  }
0x68: {  	_ =	shalt  }
0x69: {  	_ =	shalt  }
0x6a: {  	_ =	shalt  }
0x6b: {  	_ =	shalt  }
0x6c: {  	_ =	shalt  }
0x6d: {  	_ =	shalt  }
0x6e: {  	_ =	shalt  }
0x6f: {  	_ =	shalt  }
0x70: {  	_ =	shalt  }
0x71: {  	_ =	shalt  }
0x72: {  	_ =	shalt  }
0x73: {  	_ =	shalt  }
0x74: {  	_ =	shalt  }
0x75: {  	_ =	shalt  }
0x76: {  	_ =	shalt  }
0x77: {  	_ =	shalt  }
0x78: {  	_ =	shalt  }
0x79: {  	_ =	shalt  }
0x7a: {  	_ =	shalt  }
0x7b: {  	_ =	shalt  }
0x7c: {  	_ =	shalt  }
0x7d: {  	_ =	shalt  }
0x7e: {  	_ =	shalt  }
0x7f: {  	_ =	shalt  }
0x80: {  	_ =	shalt  }
0x81: {  	_ =	shalt  }
0x82: {  	_ =	shalt  }
0x83: {  	_ =	shalt  }
0x84: {  	_ =	shalt  }
0x85: {  	_ =	shalt  }
0x86: {  	_ =	shalt  }
0x87: {  	_ =	shalt  }
.Lfunc_end0:
.L_simem_size_0:
called_computation_lowered:
.L_overlay_start_0:
0x88: {  	s2 =	sld [smem:$0x3FD9]  }
0x89: {  	s3 =	sld [smem:$0x3FFE];
	_ =	sdelay $0x1  }
0x8a: {  	s1 =	srdreg.scid  }
0x8b: {  	s0 =	sand.u32 $0x1, s1  }
0x8c: {  	s17 =	sshll.u32 s0, $0xA;
	s2 =	sadd.s32 s3, s2  }
0x8d: {  	s2 =	sadd.s32 s2, s17  }
0x8e: {  	[smem:$0x3FAF] =	sst s2  }
0x8f: {  	_ = 	snop  }
0x90: {  	s2 =	sld [smem:$0x3FC9];
	(tm) =	ssettm $0x1  }
0x91: {  	s18 =	sld [smem:$0x3FFB];
	_ =	sdelay $0x3  }
0x92: {  	_ =	strace s18  }
0x93: {  	s3 =	sld [smem:$0x3FFC];
	_ =	sdelay $0x3  }
0x94: {  	_ =	strace s3  }
0x95: {  	s3 =	sld [smem:$0x3FFD];
	_ =	sdelay $0x3  }
0x96: {  	_ =	strace s3  }
0x97: {  	_ =	strace $0x8FFFFFFF  }
0x98: {  	s19 =	sld [smem:$0x3FDB];
	_ =	sdelay $0x1  }
0x99: {  	s4 =	simm.s32 $_scs_section_size  }
0x9a: {  	s5 =	simm.s32 $_size__tile_overlayer_lowered;
	s6 =	simm.s32 $_tile_overlayer_lowered  }
0x9b: {  	s22 =	simm.s32 $0x1BFF;
	s21 =	sshll.u32 s6, $0x1;
	s3 =	sadd.s32 s4, s19  }
0x9c: {  	s7 =	simm.s32 $0x0;
	s20 =	sshll.u32 s5, $0x1;
	s5 =	sadd.s32 s21, s3  }
0x9d: {  	[timem:s7], [sflag:s22] =	dma.local [hbm:s5], s20  }
0x9e: {  	_ =	swait.ge [sflag:s22], s20  }
0x9f: {  	s4 =	ssub.s32 $0x0, s20;
	[sflag:s22] =	ssyncset.done $0x0  }
0xa0: {  	[sflag:s22] =	ssyncadd.s32 s4;
	_ =	sdelay $0x1  }
0xa1: {  	s23 =	simm.s32 $0x1B8B  }
0xa2: {  	_ =	swait.ge [sflag:s23], $0x1  }
0xa3: {  	[sflag:s23] =	ssyncset.done $0x0  }
0xa4: {  	s25 =	simm.s32 $0x1B8E;
	s24 =	sld [smem:$0x3FFE];
	[sflag:s23] =	ssyncadd.s32 $0xFFFFFFFF  }
0xa5: {  	s26 =	simm.s32 $execute0_lowered;
	[smem:$0x3FD2] =	sst s25  }
0xa6: {  	s5 =	sshll.u32 s26, $0x1;
	_ =	strace $0x80000046;
	[dreg:$0x1] =	wrdreg $0xFFFFFFFF  }
0xa7: {  	s28 =	simm.s32 $_size_execute0_lowered;
	s3 =	sadd.s32 s3, s5;
	[dreg:$0x0] =	wrdreg $0x0  }
0xa8: {  	s5 =	sshll.u32 s28, $0x1;
	[dreg:$0x2] =	wrdreg s3  }
0xa9: {  	[dreg:$0x3] =	wrdreg s5  }
0xaa: {  	[dreg:$0x4] =	wrdreg $0xC0  }
0xab: {  	_ =	task [dreg:s7], $0x5FFFF  }
0xac: {  	[dreg:$0x1] =	wrdreg $0xFFFFFFFF  }
0xad: {  	[dreg:$0x0] =	wrdreg $0x60  }
0xae: {  	[dreg:$0x2] =	wrdreg s2  }
0xaf: {  	[dreg:$0x3] =	wrdreg s24  }
0xb0: {  	[dreg:$0x4] =	wrdreg $0x90000  }
0xb1: {  	[dreg:$0x5] =	wrdreg $0x9  }
0xb2: {  	_ =	task.clear_ibuf [dreg:s7], $0x6FFFF;
	_ =	strace $0x90000046  }
0xb3: {  	s29 =	simm.s32 $0x9;
	_ =	strace $0x80000048  }
0xb4: {  	_ =	swait.ge [sflag:s29], $0x1  }
0xb5: {  	[sflag:s29] =	ssyncadd.s32 $0xFFFFFFFF  }
0xb6: {  	_ =	strace $0x90000048  }
0xb7: {  	_ =	sfence  }
0xb8: {  	s30 =	sld [smem:$0x0];
	_ =	sdelay $0x2  }
0xb9: {  	s31 =	sshll.u32 s1, $0xD;
	s1 =	sshrl.u32 s1, $0x2  }
0xba: {  	s3 =	sand.u32 $0x4000, s31;
	s1 =	sadd.s32 s1, s30  }
0xbb: {  	s0 =	sor.u32 s3, s0;
	s1 =	sshll.u32 s1, $0x11  }
0xbc: {  	s0 =	sor.u32 s1, s0  }
0xbd: {  	s0 =	sadd.s32 $0x8F2B, s0  }
0xbe: {  	[sflag:s0] =	ssyncadd.remote.s32 $0x1  }
0xbf: {  	_ =	sfence.sel $0xFFFF  }
0xc0: {  	[dreg:$0x0] =	wrdreg $0xFFFFFFFF;
	(pc) =	sbr.abs _section_cstart, $3  }
0xc1: {  	[dreg:$0x1] =	wrdreg $0xFFFFFFFF  }
0xc2: {  	_ =	task.clear_ibuf [dreg:s7], $0x2FFFF;
	_ =	strace $0x9FFFFFFF  }
0xc3: {  	(tm) =	ssettm $0x7FFFFFFF  }
tec
execute0_lowered:
.L_overlay_start_1:
0x0: {  	(tag) =	ssettag $0x1  }
0x1: {  	s1 =	rddreg [dreg:$0x0]  }
0x2: {  	s0 =	srdreg.scid;
	s7 =	rddreg [dreg:$0x1]  }
0x3: {  	s3 =	rddreg [dreg:$0x2];
	s4 =	simm.s32 $0x0;
	s16 =	simm.s32 $0x7D  }
0x4: {  	s17 =	simm.s32 $0x5000;
	s18 =	simm.s32 $0x1;
	s19 =	simm.s32 $0x0  }
0x5: {  	s6 =	sand.u32 $0x1, s0;
	s0 =	stileid.u32;
	[smem:$0x7FF] =	sst s4  }
0x6: {  	s13 =	sadd.s32 $0x1BC00, s7;
	s15 =	sadd.s32 $0x124800, s3;
	s9 =	smul.u32 $0x4E000, s0  }
0x7: {  	s2 =	sshll.u32 s6, $0x4;
	s10 =	ssub.s32 $0x2, s6;
	s11 =	smul.u32 $0x138800, s6  }
0x8: {  	s12 =	smul.u32 $0x13800, s0;
	p0 =	seq.s32 s0, $0xF;
	s5 =	sor.u32 s0, s2  }
0x9: {  	s2 =	rddreg [dreg:$0x3];
	_ =	strace $0x80000047;
	s28 =	sshrl.u32 s10, $0x1  }
0xa: {  	s5 =	smul.u32 $0x500, s5;
	s9 =	sshrl.u32 s9, $0x2;
	s10 =	ssub.s32 s10, s28  }
0xb: {  	s29 =	sadd.s32 s12, s11;
	s31 =	sshrl.u32 s11, $0x3;
	s12 =	sshll.u32 @!p0 s0, $0x6  }
0xc: {  	s11 =	sshrl.u32 @p0 s15, $0x3;
	s15 =	simm.s32 $0x2800;
	s14 =	sadd.s32 s9, s3  }
0xd: {  	s30 =	sshrl.u32 s29, $0x3;
	s9 =	sadd.s32 s13, s31;
	s10 =	smax.u32 s10, $0x1  }
0xe: {  	s12 =	sor.u32 @!p0 $0x1C02, s12;
	s8 =	sadd.s32 s5, s7;
	s5 =	sadd.s32 $0x19400, s7  }
0xf: {  	s9 =	sadd.s32 $0x24900, s9;
	s6 =	sadd.s32 $0x5400, s8;
	s7 =	sadd.s32 $0xF400, s8  }
0x10: {  	s8 =	sadd.s32 s13, s30;
	s13 =	sshrl.u32 @!p0 s14, $0x3;
	s14 =	simm.s32 $0x2  }
.LBB2_1:
0x11: {  	s20 =	simm.s32 @p0 $0x1FC2  }
0x12: {  	[spmem:s11], [sflag:s20] =	dma.local @p0 [hbm:s5], $0x2800  }
0x13: {  	s20 =	simm.s32 @p0 $0x2  }
0x14: {  	_ =	swait.ge @p0 [sflag:s20], $0x2800  }
0x15: {  	[sflag:s20] =	ssyncset.done @p0 $0x0  }
0x16: {  	[sflag:s20] =	ssyncadd.s32 @p0 $0xFFFFD800;
	s20 =	simm.s32 @!p0 $0x2  }
0x17: {  	[spmem:s13], [sflag:s12] =	dma.local @!p0 [hbm:s5], $0x2700  }
0x18: {  	_ =	swait.ge @!p0 [sflag:s20], $0x2700  }
0x19: {  	[sflag:s20] =	ssyncset.done @!p0 $0x0  }
0x1a: {  	[sflag:s20] =	ssyncadd.s32 @!p0 $0xFFFFD900  }
0x1b: {  	[tilespmem:s4], [sflag:$0x2] =	stream.linear.gather [hbm4b:s6+s4], $0x2800, $0x38;
	[tilespmem:$0x1C880] =	vst v63  }
0x1c: {  	_ =	swait.ge [sflag:s14], $0x2800  }
0x1d: {  	[sflag:s14] =	ssyncset.done $0x0  }
0x1e: {  	[sflag:s14] =	ssyncadd.s32 $0xFFFFD800  }
0x1f: {  	[tilespmem:s15], [sflag:$0x2] =	stream.linear.gather [hbm4b:s7+s4], $0x2800, $0x38;
	[tilespmem:$0x1C880] =	vst v63  }
0x20: {  	_ =	swait.ge [sflag:s14], $0x2800  }
0x21: {  	[sflag:s14] =	ssyncset.done $0x0  }
0x22: {  	[sflag:s14] =	ssyncadd.s32 $0xFFFFD800  }
0x23: {  	s30 =	simm.s32 $0x0;
	[bflag:$0x0] =	sbarrier.arrive $0xFFFF  }
0x24: {  	[tilespmem:s17], [sflag:$0x1] =	stream.indirect.gather [hbm4b:s1+s16], $0x80, s30, s16, $0xb8;
	[tilespmem:$0x1C880] =	vst v63  }
0x25: {  	_ =	swait.ge [sflag:s18], $0x3E80  }
0x26: {  	[sflag:s18] =	ssyncset.done $0x0  }
0x27: {  	s31 =	simm.s32 $0x2800;
	[sflag:s18] =	ssyncadd.s32 $0xFFFFC180  }
0x28: {  	[spmem:s3] =	stream.indirect.scatter.add.f32 [tilespmem:s17], [sflag:$0x2], $0x80, s31, s16, $0xb8;
	[tilespmem:$0x1C880] =	vst v63  }
0x29: {  	_ =	swait.ge [sflag:s14], $0x3E80  }
0x2a: {  	s21 =	simm.s32 $0x400;
	s20 =	simm.s32 $0x200;
	[sflag:s14] =	ssyncset.done $0x0  }
.LBB2_2:
0x2b: {  	s22 =	sshra.s32 s20, $0x2  }
0x2c: {  	[sflag:s14] =	ssyncadd.s32 $0xFFFFC180;
	s20 =	smov.u32 s21;
	s23 =	sadd.s32 $0x200, s21  }
0x2d: {  	[tilespmem:s17], [sflag:$0x1] =	stream.indirect.gather [hbm4b:s1+s16], $0x80, s22, s16, $0xb8;
	[tilespmem:$0x1C880] =	vst v63  }
0x2e: {  	p1 =	sne.s32 s21, $0x9E00;
	_ =	swait.ge [sflag:s18], $0x3E80  }
.Ltmp0:
0x2f: {  	[sflag:s18] =	ssyncset.done $0x0;
	(pc) =	sbr.rel @p1 .LBB2_2-.Ltmp0, $4  }
0x30: {  	s21 =	sadd.s32 $0x2800, s22;
	[sflag:s18] =	ssyncadd.s32 $0xFFFFC180  }
0x31: {  	[spmem:s3] =	stream.indirect.scatter.add.f32 [tilespmem:s17], [sflag:$0x2], $0x80, s21, s16, $0xb8;
	[tilespmem:$0x1C880] =	vst v63  }
0x32: {  	_ =	swait.ge [sflag:s14], $0x3E80  }
0x33: {  	s21 =	smov.u32 s23;
	[sflag:s14] =	ssyncset.done $0x0  }
0x34: {  	s20 =	sshra.s32 s20, $0x2;
	[sflag:s14] =	ssyncadd.s32 $0xFFFFC180  }
0x35: {  	[tilespmem:s17], [sflag:$0x1] =	stream.indirect.gather [hbm4b:s1+s16], $0x80, s20, s16, $0xb8;
	[tilespmem:$0x1C880] =	vst v63  }
0x36: {  	_ =	swait.ge [sflag:s18], $0x3E80  }
0x37: {  	[sflag:s18] =	ssyncset.done $0x0  }
0x38: {  	s20 =	sadd.s32 $0x2800, s20;
	[sflag:s18] =	ssyncadd.s32 $0xFFFFC180  }
0x39: {  	[spmem:s3] =	stream.indirect.scatter.add.f32 [tilespmem:s17], [sflag:$0x2], $0x80, s20, s16, $0xb8;
	[tilespmem:$0x1C880] =	vst v63  }
0x3a: {  	_ =	swait.ge [sflag:s14], $0x3E80  }
0x3b: {  	[sflag:s14] =	ssyncset.done $0x0  }
0x3c: {  	[sflag:s14] =	ssyncadd.s32 $0xFFFFC180  }
0x3d: {  	s20 =	simm.s32 @p0 $0x1FC2;
	[bflag:$0x0] =	sbarrier.arrive $0xFFFF  }
0x3e: {  	[hbm:s9], [sflag:s20] =	dma.local @p0 [spmem:s11], $0x2800  }
0x3f: {  	s20 =	simm.s32 @p0 $0x2  }
0x40: {  	s19 =	sadd.s32 $0x1, s19;
	_ =	swait.ge @p0 [sflag:s20], $0x2800  }
0x41: {  	p1 =	sne.s32 s19, s10;
	[sflag:s20] =	ssyncset.done @p0 $0x0  }
.Ltmp1:
0x42: {  	[sflag:s20] =	ssyncadd.s32 @p0 $0xFFFFD800;
	s20 =	simm.s32 @!p0 $0x2;
	(pc) =	sbr.rel @p1 .LBB2_1-.Ltmp1, $4  }
0x43: {  	[hbm:s8], [sflag:s12] =	dma.local @!p0 [spmem:s13], $0x2700  }
0x44: {  	_ =	swait.ge @!p0 [sflag:s20], $0x2700  }
0x45: {  	[sflag:s20] =	ssyncset.done @!p0 $0x0  }
0x46: {  	[sflag:s20] =	ssyncadd.s32 @!p0 $0xFFFFD900  }
0x47: {  	_ =	sfence.sel $0x180000  }
0x48: {  	[bflag:$0x0] =	sbarrier.arrive $0xFFFF  }
0x49: {  	p0 =	sne.s32 s0, $0x0;
	_ =	strace $0x90000047  }
0x4a: {  	s0 =	sadd.s32 @!p0 $0x100000, s2;
	[bflag:$0x2] =	sbarrier.arrive $0xFFFF  }
0x4b: {  	[sflag:s0] =	ssyncadd.tile.s32 @!p0 $0x1;
	_ =	shalt  }
.Lfunc_end2:
_tile_overlayer_lowered:
.L_overlay_start_2:
0x4c: {  	(tag) =	ssettag $0x2  }
0x4d: {  	s0 =	rddreg [dreg:$0x0];
	s2 =	stileid.u32  }
0x4e: {  	s1 =	rddreg [dreg:$0x1];
	p0 =	sne.s32 s2, $0x0  }
0x4f: {  	s3 =	rddreg [dreg:$0x2];
	[bflag:$0x3] =	sbarrier.arrive $0xFFFF;
	s2 =	simm.s32 @!p0 $0x1C02  }
0x50: {  	[timem:s3], [sflag:s2] =	dma.local @!p0 [hbm:s0], s1  }
0x51: {  	s0 =	simm.s32 @!p0 $0x2  }
0x52: {  	_ =	swait.ge @!p0 [sflag:s0], s1  }
0x53: {  	s1 =	ssub.s32 @!p0 $0x0, s1;
	[sflag:s0] =	ssyncset.done @!p0 $0x0  }
0x54: {  	[sflag:s0] =	ssyncadd.s32 @!p0 s1  }
0x55: {  	[bflag:$0x3] =	sbarrier.arrive $0xFFFF  }
0x56: {  	_ =	shalt  }

</sc_bundles>
